<compile_context>
chip_gen: v7x
topology: tpu7x:2x2x1
jax: 0.10.2.dev20260603
libtpu: 0.0.44.dev20260713+nightly
codegen_flags: <defaults>
</compile_context>

<pallas_src>
import functools

import jax
import jax.numpy as jnp
import numpy as np
from jax import lax
from jax.experimental import pallas as pl
from jax.experimental.pallas import tpu as pltpu
from jax.experimental.pallas import tpu_sc as plsc

B, F, D, V = 16384, 26, 16, 1000000
FD = F * D
BF = B * F

NC, NS, L = 2, 16, 16
NW = NC * NS
PW = BF // NW

_TCH = 62504


@functools.cache
def _make_sc_gather():
    mesh = plsc.VectorSubcoreMesh(
        core_axis_name="c", subcore_axis_name="s", num_cores=NC, num_subcores=NS
    )
    return pl.kernel(
        _sc_gather_body,
        out_type=jax.ShapeDtypeStruct((BF,), jnp.float32),
        mesh=mesh,
        scratch_types=[
            pltpu.VMEM((PW,), jnp.int32),
            pltpu.VMEM((PW,), jnp.float32),
            pltpu.VMEM_SHARED((V,), jnp.float32),
            pltpu.VMEM((8192,), jnp.float32),
            pltpu.SemaphoreType.DMA,
        ],
    )


def _sc_gather_body(table_hbm, ids_hbm, out_hbm, idx_v, g_v, table_sh,
                    bounce_v, sem):
    i32 = jnp.int32
    sid = lax.axis_index("s")
    wid = sid * i32(NC) + lax.axis_index("c")
    base = wid * i32(PW)

    idx_desc = pltpu.async_copy(ids_hbm.at[pl.ds(base, PW)], idx_v, sem)

    toff = jnp.minimum(sid * i32(_TCH), i32(V - _TCH))
    sub_off = 0
    for sz in [8192] * 7 + [_TCH - 7 * 8192]:
        src = table_hbm.at[pl.ds(toff + i32(sub_off), sz)]
        pltpu.sync_copy(src, bounce_v.at[pl.ds(i32(0), sz)])
        pltpu.sync_copy(bounce_v.at[pl.ds(i32(0), sz)],
                        table_sh.at[pl.ds(toff + i32(sub_off), sz)])
        sub_off += sz
    plsc.subcore_barrier()

    idx_desc.wait()
    pltpu.async_copy(table_sh.at[idx_v], g_v, sem).wait()
    pltpu.sync_copy(g_v, out_hbm.at[pl.ds(base, PW)])


_BB = 2048


def _tc_body(x_ref, m_ref, g_ref, v_ref, b_ref, o_ref):
    x = x_ref[...]
    m = m_ref[...]
    s = jnp.dot(x, m, preferred_element_type=jnp.float32)
    t1 = jnp.sum(s * s, axis=1)
    t2 = jnp.sum(x * x, axis=1)
    t3 = jnp.sum(g_ref[...] * v_ref[...], axis=1)
    o_ref[...] = (t1 - t2) * (1.0 / (2.0 * D)) + t3 + b_ref[0]


_tc_call = pl.pallas_call(
    _tc_body,
    out_shape=jax.ShapeDtypeStruct((B,), jnp.float32),
    grid=(B // _BB,),
    in_specs=[
        pl.BlockSpec((_BB, FD), lambda i: (i, jnp.int32(0))),
        pl.BlockSpec((FD, D), lambda i: (jnp.int32(0), jnp.int32(0))),
        pl.BlockSpec((_BB, F), lambda i: (i, jnp.int32(0))),
        pl.BlockSpec((_BB, F), lambda i: (i, jnp.int32(0))),
        pl.BlockSpec((1,), lambda i: (jnp.int32(0),), memory_space=pltpu.SMEM),
    ],
    out_specs=pl.BlockSpec((_BB,), lambda i: (i,)),
)

_M_np = np.zeros((FD, D), dtype=np.float32)
_M_np[np.arange(FD), np.arange(FD) % D] = 1.0


@jax.jit
def kernel(input_embeddings, feature_ids, feature_vals, feature_biases, bias):
    ids = feature_ids.reshape(BF).astype(jnp.int32)
    table = feature_biases.reshape(V)
    g = _make_sc_gather()(table, ids).reshape(B, F)

    x = input_embeddings.reshape(B, FD)
    m = jnp.asarray(_M_np)
    return _tc_call(x, m, g, feature_vals, bias.astype(jnp.float32))

# --- scband reference (transcript-rebuilt; emitter-appended) ---
"""Pipeline reference for scband-fm-3831110828057 (READ-ONLY COPY).

The authoritative reference and input builder live on the scoring server;
editing this copy changes nothing except your own understanding.
"""

import jax, jax.numpy as jnp
import numpy as np

jax.config.update("jax_enable_x64", True)

B, F, D, V = 16384, 26, 16, 1000000


def setup_inputs(seed: int = 0) -> dict:
    key = jax.random.key(seed)
    k1, k2, k3, k4 = jax.random.split(key, 4)
    input_embeddings = jax.random.normal(k1, (B, F, D), dtype=jnp.float32)
    feature_ids = jax.random.randint(k2, (B, F), 0, V, dtype=jnp.int64)
    feature_vals = jax.random.uniform(k3, (B, F), dtype=jnp.float32)
    # learned parameters (torch inits feature_biases to zeros; use small random
    # values so the bias path is numerically non-trivial)
    feature_biases = jax.random.normal(k4, (V, 1), dtype=jnp.float32) * 0.01
    bias = jnp.zeros((1,), dtype=jnp.float32)
    return {
        "input_embeddings": input_embeddings,
        "feature_ids": feature_ids,
        "feature_vals": feature_vals,
        "feature_biases": feature_biases,
        "bias": bias,
    }


def reference(input_embeddings, feature_ids, feature_vals, feature_biases, bias):
    # FM second-order interaction term
    square_sum = jnp.sum(input_embeddings ** 2, axis=1)          # [B, D]
    sum_square = jnp.sum(input_embeddings, axis=1) ** 2          # [B, D]
    prediction = jnp.mean((sum_square - square_sum) / 2.0, axis=1)  # [B]
    # first-order bias term: embedding lookup (gather) into [V, 1] table
    input_biases = jnp.take(feature_biases, feature_ids, axis=0)  # [B, F, 1]
    input_biases = jnp.squeeze(input_biases, axis=-1)             # [B, F]
    input_biases = input_biases * feature_vals
    prediction = prediction + jnp.sum(input_biases, axis=1) + bias
    return prediction

if __name__ == "__main__":
    import jax
    _d = setup_inputs()
    print(jax.jit(kernel)(*tuple(_d.values())))

</pallas_src>

<mosaic_0001>
#map = affine_map<(d0, d1) -> (0)>
module attributes {stable_mosaic.version = 14 : i64} {
  func.func @_sc_gather_body(%arg0: i32, %arg1: i32, %arg2: memref<1000000xf32, #tpu.memory_space<hbm>>, %arg3: memref<425984xi32, #tpu.memory_space<hbm>>, %arg4: memref<425984xf32, #tpu.memory_space<hbm>>, %arg5: memref<13312xi32, #tpu.memory_space<vmem>>, %arg6: memref<13312xf32, #tpu.memory_space<vmem>>, %arg7: memref<1000000xf32, #tpu.memory_space<vmem_shared>>, %arg8: memref<8192xf32, #tpu.memory_space<vmem>>, %arg9: memref<!tpu.dma_semaphore, #tpu.memory_space<semaphore_mem>>) attributes {dimension_semantics = [#tpu.dimension_semantics<core_parallel>, #tpu.dimension_semantics<subcore_parallel>], iteration_bounds = array<i64: 2, 16>, scalar_prefetch = 0 : i64, scratch_operands = 5 : i64, tpu.core_type = #tpu.core_type<sc_vector_subcore>, window_params = [{transform_indices = #map}, {transform_indices = #map}, {transform_indices = #map}]} {
    %mul3A = arith.constant 2 : i32
    %mul3A_0 = arith.muli %arg1, %mul3A : i32
    %add3A = arith.addi %mul3A_0, %arg0 : i32
    %mul3A_1 = arith.constant 13312 : i32
    %mul3A_2 = arith.muli %add3A, %mul3A_1 : i32
    %dma_start3A = tpu.memref_slice %arg3[%mul3A_2] : memref<425984xi32, #tpu.memory_space<hbm>> -> memref<13312xi32, #tpu.memory_space<hbm>>
    %dma_start3A_3 = tpu.memref_slice %arg3[%mul3A_2] : memref<425984xi32, #tpu.memory_space<hbm>> -> memref<13312xi32, #tpu.memory_space<hbm>>
    tpu.enqueue_dma source(%dma_start3A_3 : memref<13312xi32, #tpu.memory_space<hbm>>) target(%arg5 : memref<13312xi32, #tpu.memory_space<vmem>>) target_semaphore(%arg9 : memref<!tpu.dma_semaphore, #tpu.memory_space<semaphore_mem>>)
    %mul3A_4 = arith.constant 62504 : i32
    %mul3A_5 = arith.muli %arg1, %mul3A_4 : i32
    %min3A = arith.constant 937496 : i32
    %min3A_6 = arith.minsi %mul3A_5, %min3A : i32
    %add3A_7 = arith.constant 0 : i32
    %add3A_8 = arith.addi %min3A_6, %add3A_7 : i32
    %run_scoped3A = arith.constant 0 : i32
    "tpu.region"() ({
      %run_scoped3A_59 = tpu.sem_alloc : memref<!tpu.dma_semaphore, #tpu.memory_space<semaphore_mem>>
      %dma_start3A_60 = tpu.memref_slice %arg8[%run_scoped3A] : memref<8192xf32, #tpu.memory_space<vmem>> -> memref<8192xf32, #tpu.memory_space<vmem>>
      %dma_start3A_61 = tpu.memref_slice %arg2[%add3A_8] : memref<1000000xf32, #tpu.memory_space<hbm>> -> memref<8192xf32, #tpu.memory_space<hbm>>
      %dma_start3A_62 = tpu.memref_slice %arg8[%run_scoped3A] : memref<8192xf32, #tpu.memory_space<vmem>> -> memref<8192xf32, #tpu.memory_space<vmem>>
      %dma_start3A_63 = tpu.memref_slice %arg2[%add3A_8] : memref<1000000xf32, #tpu.memory_space<hbm>> -> memref<8192xf32, #tpu.memory_space<hbm>>
      tpu.enqueue_dma source(%dma_start3A_63 : memref<8192xf32, #tpu.memory_space<hbm>>) target(%dma_start3A_62 : memref<8192xf32, #tpu.memory_space<vmem>>) target_semaphore(%run_scoped3A_59 : memref<!tpu.dma_semaphore, #tpu.memory_space<semaphore_mem>>)
      %dma_wait3A_64 = tpu.memref_slice %arg8[%run_scoped3A] : memref<8192xf32, #tpu.memory_space<vmem>> -> memref<8192xf32, #tpu.memory_space<vmem>>
      %dma_wait3A_65 = tpu.memref_slice %arg2[%add3A_8] : memref<1000000xf32, #tpu.memory_space<hbm>> -> memref<8192xf32, #tpu.memory_space<hbm>>
      %dma_wait3A_66 = tpu.memref_slice %arg8[%run_scoped3A] : memref<8192xf32, #tpu.memory_space<vmem>> -> memref<8192xf32, #tpu.memory_space<vmem>>
      %dma_wait3A_67 = tpu.memref_slice %arg2[%add3A_8] : memref<1000000xf32, #tpu.memory_space<hbm>> -> memref<8192xf32, #tpu.memory_space<hbm>>
      tpu.wait_dma2 semaphore(%run_scoped3A_59 : memref<!tpu.dma_semaphore, #tpu.memory_space<semaphore_mem>>) src(%dma_wait3A_67 : memref<8192xf32, #tpu.memory_space<hbm>>) dst(%dma_wait3A_66 : memref<8192xf32, #tpu.memory_space<vmem>>)
      tpu.yield
    }) : () -> ()
    %add3A_9 = arith.constant 0 : i32
    %add3A_10 = arith.addi %min3A_6, %add3A_9 : i32
    %run_scoped3A_11 = arith.constant 0 : i32
    "tpu.region"() ({
      %run_scoped3A_59 = tpu.sem_alloc : memref<!tpu.dma_semaphore, #tpu.memory_space<semaphore_mem>>
      %dma_start3A_60 = tpu.memref_slice %arg8[%run_scoped3A_11] : memref<8192xf32, #tpu.memory_space<vmem>> -> memref<8192xf32, #tpu.memory_space<vmem>>
      %dma_start3A_61 = tpu.memref_slice %arg7[%add3A_10] : memref<1000000xf32, #tpu.memory_space<vmem_shared>> -> memref<8192xf32, #tpu.memory_space<vmem_shared>>
      %dma_start3A_62 = tpu.memref_slice %arg7[%add3A_10] : memref<1000000xf32, #tpu.memory_space<vmem_shared>> -> memref<8192xf32, #tpu.memory_space<vmem_shared>>
      %dma_start3A_63 = tpu.memref_slice %arg8[%run_scoped3A_11] : memref<8192xf32, #tpu.memory_space<vmem>> -> memref<8192xf32, #tpu.memory_space<vmem>>
      tpu.enqueue_dma source(%dma_start3A_63 : memref<8192xf32, #tpu.memory_space<vmem>>) target(%dma_start3A_62 : memref<8192xf32, #tpu.memory_space<vmem_shared>>) target_semaphore(%run_scoped3A_59 : memref<!tpu.dma_semaphore, #tpu.memory_space<semaphore_mem>>)
      %dma_wait3A_64 = tpu.memref_slice %arg8[%run_scoped3A_11] : memref<8192xf32, #tpu.memory_space<vmem>> -> memref<8192xf32, #tpu.memory_space<vmem>>
      %dma_wait3A_65 = tpu.memref_slice %arg7[%add3A_10] : memref<1000000xf32, #tpu.memory_space<vmem_shared>> -> memref<8192xf32, #tpu.memory_space<vmem_shared>>
      %dma_wait3A_66 = tpu.memref_slice %arg7[%add3A_10] : memref<1000000xf32, #tpu.memory_space<vmem_shared>> -> memref<8192xf32, #tpu.memory_space<vmem_shared>>
      %dma_wait3A_67 = tpu.memref_slice %arg8[%run_scoped3A_11] : memref<8192xf32, #tpu.memory_space<vmem>> -> memref<8192xf32, #tpu.memory_space<vmem>>
      tpu.wait_dma2 semaphore(%run_scoped3A_59 : memref<!tpu.dma_semaphore, #tpu.memory_space<semaphore_mem>>) src(%dma_wait3A_67 : memref<8192xf32, #tpu.memory_space<vmem>>) dst(%dma_wait3A_66 : memref<8192xf32, #tpu.memory_space<vmem_shared>>)
      tpu.yield
    }) : () -> ()
    %add3A_12 = arith.constant 8192 : i32
    %add3A_13 = arith.addi %min3A_6, %add3A_12 : i32
    %run_scoped3A_14 = arith.constant 0 : i32
    "tpu.region"() ({
      %run_scoped3A_59 = tpu.sem_alloc : memref<!tpu.dma_semaphore, #tpu.memory_space<semaphore_mem>>
      %dma_start3A_60 = tpu.memref_slice %arg8[%run_scoped3A_14] : memref<8192xf32, #tpu.memory_space<vmem>> -> memref<8192xf32, #tpu.memory_space<vmem>>
      %dma_start3A_61 = tpu.memref_slice %arg2[%add3A_13] : memref<1000000xf32, #tpu.memory_space<hbm>> -> memref<8192xf32, #tpu.memory_space<hbm>>
      %dma_start3A_62 = tpu.memref_slice %arg8[%run_scoped3A_14] : memref<8192xf32, #tpu.memory_space<vmem>> -> memref<8192xf32, #tpu.memory_space<vmem>>
      %dma_start3A_63 = tpu.memref_slice %arg2[%add3A_13] : memref<1000000xf32, #tpu.memory_space<hbm>> -> memref<8192xf32, #tpu.memory_space<hbm>>
      tpu.enqueue_dma source(%dma_start3A_63 : memref<8192xf32, #tpu.memory_space<hbm>>) target(%dma_start3A_62 : memref<8192xf32, #tpu.memory_space<vmem>>) target_semaphore(%run_scoped3A_59 : memref<!tpu.dma_semaphore, #tpu.memory_space<semaphore_mem>>)
      %dma_wait3A_64 = tpu.memref_slice %arg8[%run_scoped3A_14] : memref<8192xf32, #tpu.memory_space<vmem>> -> memref<8192xf32, #tpu.memory_space<vmem>>
      %dma_wait3A_65 = tpu.memref_slice %arg2[%add3A_13] : memref<1000000xf32, #tpu.memory_space<hbm>> -> memref<8192xf32, #tpu.memory_space<hbm>>
      %dma_wait3A_66 = tpu.memref_slice %arg8[%run_scoped3A_14] : memref<8192xf32, #tpu.memory_space<vmem>> -> memref<8192xf32, #tpu.memory_space<vmem>>
      %dma_wait3A_67 = tpu.memref_slice %arg2[%add3A_13] : memref<1000000xf32, #tpu.memory_space<hbm>> -> memref<8192xf32, #tpu.memory_space<hbm>>
      tpu.wait_dma2 semaphore(%run_scoped3A_59 : memref<!tpu.dma_semaphore, #tpu.memory_space<semaphore_mem>>) src(%dma_wait3A_67 : memref<8192xf32, #tpu.memory_space<hbm>>) dst(%dma_wait3A_66 : memref<8192xf32, #tpu.memory_space<vmem>>)
      tpu.yield
    }) : () -> ()
    %add3A_15 = arith.constant 8192 : i32
    %add3A_16 = arith.addi %min3A_6, %add3A_15 : i32
    %run_scoped3A_17 = arith.constant 0 : i32
    "tpu.region"() ({
      %run_scoped3A_59 = tpu.sem_alloc : memref<!tpu.dma_semaphore, #tpu.memory_space<semaphore_mem>>
      %dma_start3A_60 = tpu.memref_slice %arg8[%run_scoped3A_17] : memref<8192xf32, #tpu.memory_space<vmem>> -> memref<8192xf32, #tpu.memory_space<vmem>>
      %dma_start3A_61 = tpu.memref_slice %arg7[%add3A_16] : memref<1000000xf32, #tpu.memory_space<vmem_shared>> -> memref<8192xf32, #tpu.memory_space<vmem_shared>>
      %dma_start3A_62 = tpu.memref_slice %arg7[%add3A_16] : memref<1000000xf32, #tpu.memory_space<vmem_shared>> -> memref<8192xf32, #tpu.memory_space<vmem_shared>>
      %dma_start3A_63 = tpu.memref_slice %arg8[%run_scoped3A_17] : memref<8192xf32, #tpu.memory_space<vmem>> -> memref<8192xf32, #tpu.memory_space<vmem>>
      tpu.enqueue_dma source(%dma_start3A_63 : memref<8192xf32, #tpu.memory_space<vmem>>) target(%dma_start3A_62 : memref<8192xf32, #tpu.memory_space<vmem_shared>>) target_semaphore(%run_scoped3A_59 : memref<!tpu.dma_semaphore, #tpu.memory_space<semaphore_mem>>)
      %dma_wait3A_64 = tpu.memref_slice %arg8[%run_scoped3A_17] : memref<8192xf32, #tpu.memory_space<vmem>> -> memref<8192xf32, #tpu.memory_space<vmem>>
      %dma_wait3A_65 = tpu.memref_slice %arg7[%add3A_16] : memref<1000000xf32, #tpu.memory_space<vmem_shared>> -> memref<8192xf32, #tpu.memory_space<vmem_shared>>
      %dma_wait3A_66 = tpu.memref_slice %arg7[%add3A_16] : memref<1000000xf32, #tpu.memory_space<vmem_shared>> -> memref<8192xf32, #tpu.memory_space<vmem_shared>>
      %dma_wait3A_67 = tpu.memref_slice %arg8[%run_scoped3A_17] : memref<8192xf32, #tpu.memory_space<vmem>> -> memref<8192xf32, #tpu.memory_space<vmem>>
      tpu.wait_dma2 semaphore(%run_scoped3A_59 : memref<!tpu.dma_semaphore, #tpu.memory_space<semaphore_mem>>) src(%dma_wait3A_67 : memref<8192xf32, #tpu.memory_space<vmem>>) dst(%dma_wait3A_66 : memref<8192xf32, #tpu.memory_space<vmem_shared>>)
      tpu.yield
    }) : () -> ()
    %add3A_18 = arith.constant 16384 : i32
    %add3A_19 = arith.addi %min3A_6, %add3A_18 : i32
    %run_scoped3A_20 = arith.constant 0 : i32
    "tpu.region"() ({
      %run_scoped3A_59 = tpu.sem_alloc : memref<!tpu.dma_semaphore, #tpu.memory_space<semaphore_mem>>
      %dma_start3A_60 = tpu.memref_slice %arg8[%run_scoped3A_20] : memref<8192xf32, #tpu.memory_space<vmem>> -> memref<8192xf32, #tpu.memory_space<vmem>>
      %dma_start3A_61 = tpu.memref_slice %arg2[%add3A_19] : memref<1000000xf32, #tpu.memory_space<hbm>> -> memref<8192xf32, #tpu.memory_space<hbm>>
      %dma_start3A_62 = tpu.memref_slice %arg8[%run_scoped3A_20] : memref<8192xf32, #tpu.memory_space<vmem>> -> memref<8192xf32, #tpu.memory_space<vmem>>
      %dma_start3A_63 = tpu.memref_slice %arg2[%add3A_19] : memref<1000000xf32, #tpu.memory_space<hbm>> -> memref<8192xf32, #tpu.memory_space<hbm>>
      tpu.enqueue_dma source(%dma_start3A_63 : memref<8192xf32, #tpu.memory_space<hbm>>) target(%dma_start3A_62 : memref<8192xf32, #tpu.memory_space<vmem>>) target_semaphore(%run_scoped3A_59 : memref<!tpu.dma_semaphore, #tpu.memory_space<semaphore_mem>>)
      %dma_wait3A_64 = tpu.memref_slice %arg8[%run_scoped3A_20] : memref<8192xf32, #tpu.memory_space<vmem>> -> memref<8192xf32, #tpu.memory_space<vmem>>
      %dma_wait3A_65 = tpu.memref_slice %arg2[%add3A_19] : memref<1000000xf32, #tpu.memory_space<hbm>> -> memref<8192xf32, #tpu.memory_space<hbm>>
      %dma_wait3A_66 = tpu.memref_slice %arg8[%run_scoped3A_20] : memref<8192xf32, #tpu.memory_space<vmem>> -> memref<8192xf32, #tpu.memory_space<vmem>>
      %dma_wait3A_67 = tpu.memref_slice %arg2[%add3A_19] : memref<1000000xf32, #tpu.memory_space<hbm>> -> memref<8192xf32, #tpu.memory_space<hbm>>
      tpu.wait_dma2 semaphore(%run_scoped3A_59 : memref<!tpu.dma_semaphore, #tpu.memory_space<semaphore_mem>>) src(%dma_wait3A_67 : memref<8192xf32, #tpu.memory_space<hbm>>) dst(%dma_wait3A_66 : memref<8192xf32, #tpu.memory_space<vmem>>)
      tpu.yield
    }) : () -> ()
    %add3A_21 = arith.constant 16384 : i32
    %add3A_22 = arith.addi %min3A_6, %add3A_21 : i32
    %run_scoped3A_23 = arith.constant 0 : i32
    "tpu.region"() ({
      %run_scoped3A_59 = tpu.sem_alloc : memref<!tpu.dma_semaphore, #tpu.memory_space<semaphore_mem>>
      %dma_start3A_60 = tpu.memref_slice %arg8[%run_scoped3A_23] : memref<8192xf32, #tpu.memory_space<vmem>> -> memref<8192xf32, #tpu.memory_space<vmem>>
      %dma_start3A_61 = tpu.memref_slice %arg7[%add3A_22] : memref<1000000xf32, #tpu.memory_space<vmem_shared>> -> memref<8192xf32, #tpu.memory_space<vmem_shared>>
      %dma_start3A_62 = tpu.memref_slice %arg7[%add3A_22] : memref<1000000xf32, #tpu.memory_space<vmem_shared>> -> memref<8192xf32, #tpu.memory_space<vmem_shared>>
      %dma_start3A_63 = tpu.memref_slice %arg8[%run_scoped3A_23] : memref<8192xf32, #tpu.memory_space<vmem>> -> memref<8192xf32, #tpu.memory_space<vmem>>
      tpu.enqueue_dma source(%dma_start3A_63 : memref<8192xf32, #tpu.memory_space<vmem>>) target(%dma_start3A_62 : memref<8192xf32, #tpu.memory_space<vmem_shared>>) target_semaphore(%run_scoped3A_59 : memref<!tpu.dma_semaphore, #tpu.memory_space<semaphore_mem>>)
      %dma_wait3A_64 = tpu.memref_slice %arg8[%run_scoped3A_23] : memref<8192xf32, #tpu.memory_space<vmem>> -> memref<8192xf32, #tpu.memory_space<vmem>>
      %dma_wait3A_65 = tpu.memref_slice %arg7[%add3A_22] : memref<1000000xf32, #tpu.memory_space<vmem_shared>> -> memref<8192xf32, #tpu.memory_space<vmem_shared>>
      %dma_wait3A_66 = tpu.memref_slice %arg7[%add3A_22] : memref<1000000xf32, #tpu.memory_space<vmem_shared>> -> memref<8192xf32, #tpu.memory_space<vmem_shared>>
      %dma_wait3A_67 = tpu.memref_slice %arg8[%run_scoped3A_23] : memref<8192xf32, #tpu.memory_space<vmem>> -> memref<8192xf32, #tpu.memory_space<vmem>>
      tpu.wait_dma2 semaphore(%run_scoped3A_59 : memref<!tpu.dma_semaphore, #tpu.memory_space<semaphore_mem>>) src(%dma_wait3A_67 : memref<8192xf32, #tpu.memory_space<vmem>>) dst(%dma_wait3A_66 : memref<8192xf32, #tpu.memory_space<vmem_shared>>)
      tpu.yield
    }) : () -> ()
    %add3A_24 = arith.constant 24576 : i32
    %add3A_25 = arith.addi %min3A_6, %add3A_24 : i32
    %run_scoped3A_26 = arith.constant 0 : i32
    "tpu.region"() ({
      %run_scoped3A_59 = tpu.sem_alloc : memref<!tpu.dma_semaphore, #tpu.memory_space<semaphore_mem>>
      %dma_start3A_60 = tpu.memref_slice %arg8[%run_scoped3A_26] : memref<8192xf32, #tpu.memory_space<vmem>> -> memref<8192xf32, #tpu.memory_space<vmem>>
      %dma_start3A_61 = tpu.memref_slice %arg2[%add3A_25] : memref<1000000xf32, #tpu.memory_space<hbm>> -> memref<8192xf32, #tpu.memory_space<hbm>>
      %dma_start3A_62 = tpu.memref_slice %arg8[%run_scoped3A_26] : memref<8192xf32, #tpu.memory_space<vmem>> -> memref<8192xf32, #tpu.memory_space<vmem>>
      %dma_start3A_63 = tpu.memref_slice %arg2[%add3A_25] : memref<1000000xf32, #tpu.memory_space<hbm>> -> memref<8192xf32, #tpu.memory_space<hbm>>
      tpu.enqueue_dma source(%dma_start3A_63 : memref<8192xf32, #tpu.memory_space<hbm>>) target(%dma_start3A_62 : memref<8192xf32, #tpu.memory_space<vmem>>) target_semaphore(%run_scoped3A_59 : memref<!tpu.dma_semaphore, #tpu.memory_space<semaphore_mem>>)
      %dma_wait3A_64 = tpu.memref_slice %arg8[%run_scoped3A_26] : memref<8192xf32, #tpu.memory_space<vmem>> -> memref<8192xf32, #tpu.memory_space<vmem>>
      %dma_wait3A_65 = tpu.memref_slice %arg2[%add3A_25] : memref<1000000xf32, #tpu.memory_space<hbm>> -> memref<8192xf32, #tpu.memory_space<hbm>>
      %dma_wait3A_66 = tpu.memref_slice %arg8[%run_scoped3A_26] : memref<8192xf32, #tpu.memory_space<vmem>> -> memref<8192xf32, #tpu.memory_space<vmem>>
      %dma_wait3A_67 = tpu.memref_slice %arg2[%add3A_25] : memref<1000000xf32, #tpu.memory_space<hbm>> -> memref<8192xf32, #tpu.memory_space<hbm>>
      tpu.wait_dma2 semaphore(%run_scoped3A_59 : memref<!tpu.dma_semaphore, #tpu.memory_space<semaphore_mem>>) src(%dma_wait3A_67 : memref<8192xf32, #tpu.memory_space<hbm>>) dst(%dma_wait3A_66 : memref<8192xf32, #tpu.memory_space<vmem>>)
      tpu.yield
    }) : () -> ()
    %add3A_27 = arith.constant 24576 : i32
    %add3A_28 = arith.addi %min3A_6, %add3A_27 : i32
    %run_scoped3A_29 = arith.constant 0 : i32
    "tpu.region"() ({
      %run_scoped3A_59 = tpu.sem_alloc : memref<!tpu.dma_semaphore, #tpu.memory_space<semaphore_mem>>
      %dma_start3A_60 = tpu.memref_slice %arg8[%run_scoped3A_29] : memref<8192xf32, #tpu.memory_space<vmem>> -> memref<8192xf32, #tpu.memory_space<vmem>>
      %dma_start3A_61 = tpu.memref_slice %arg7[%add3A_28] : memref<1000000xf32, #tpu.memory_space<vmem_shared>> -> memref<8192xf32, #tpu.memory_space<vmem_shared>>
      %dma_start3A_62 = tpu.memref_slice %arg7[%add3A_28] : memref<1000000xf32, #tpu.memory_space<vmem_shared>> -> memref<8192xf32, #tpu.memory_space<vmem_shared>>
      %dma_start3A_63 = tpu.memref_slice %arg8[%run_scoped3A_29] : memref<8192xf32, #tpu.memory_space<vmem>> -> memref<8192xf32, #tpu.memory_space<vmem>>
      tpu.enqueue_dma source(%dma_start3A_63 : memref<8192xf32, #tpu.memory_space<vmem>>) target(%dma_start3A_62 : memref<8192xf32, #tpu.memory_space<vmem_shared>>) target_semaphore(%run_scoped3A_59 : memref<!tpu.dma_semaphore, #tpu.memory_space<semaphore_mem>>)
      %dma_wait3A_64 = tpu.memref_slice %arg8[%run_scoped3A_29] : memref<8192xf32, #tpu.memory_space<vmem>> -> memref<8192xf32, #tpu.memory_space<vmem>>
      %dma_wait3A_65 = tpu.memref_slice %arg7[%add3A_28] : memref<1000000xf32, #tpu.memory_space<vmem_shared>> -> memref<8192xf32, #tpu.memory_space<vmem_shared>>
      %dma_wait3A_66 = tpu.memref_slice %arg7[%add3A_28] : memref<1000000xf32, #tpu.memory_space<vmem_shared>> -> memref<8192xf32, #tpu.memory_space<vmem_shared>>
      %dma_wait3A_67 = tpu.memref_slice %arg8[%run_scoped3A_29] : memref<8192xf32, #tpu.memory_space<vmem>> -> memref<8192xf32, #tpu.memory_space<vmem>>
      tpu.wait_dma2 semaphore(%run_scoped3A_59 : memref<!tpu.dma_semaphore, #tpu.memory_space<semaphore_mem>>) src(%dma_wait3A_67 : memref<8192xf32, #tpu.memory_space<vmem>>) dst(%dma_wait3A_66 : memref<8192xf32, #tpu.memory_space<vmem_shared>>)
      tpu.yield
    }) : () -> ()
    %add3A_30 = arith.constant 32768 : i32
    %add3A_31 = arith.addi %min3A_6, %add3A_30 : i32
    %run_scoped3A_32 = arith.constant 0 : i32
    "tpu.region"() ({
      %run_scoped3A_59 = tpu.sem_alloc : memref<!tpu.dma_semaphore, #tpu.memory_space<semaphore_mem>>
      %dma_start3A_60 = tpu.memref_slice %arg8[%run_scoped3A_32] : memref<8192xf32, #tpu.memory_space<vmem>> -> memref<8192xf32, #tpu.memory_space<vmem>>
      %dma_start3A_61 = tpu.memref_slice %arg2[%add3A_31] : memref<1000000xf32, #tpu.memory_space<hbm>> -> memref<8192xf32, #tpu.memory_space<hbm>>
      %dma_start3A_62 = tpu.memref_slice %arg8[%run_scoped3A_32] : memref<8192xf32, #tpu.memory_space<vmem>> -> memref<8192xf32, #tpu.memory_space<vmem>>
      %dma_start3A_63 = tpu.memref_slice %arg2[%add3A_31] : memref<1000000xf32, #tpu.memory_space<hbm>> -> memref<8192xf32, #tpu.memory_space<hbm>>
      tpu.enqueue_dma source(%dma_start3A_63 : memref<8192xf32, #tpu.memory_space<hbm>>) target(%dma_start3A_62 : memref<8192xf32, #tpu.memory_space<vmem>>) target_semaphore(%run_scoped3A_59 : memref<!tpu.dma_semaphore, #tpu.memory_space<semaphore_mem>>)
      %dma_wait3A_64 = tpu.memref_slice %arg8[%run_scoped3A_32] : memref<8192xf32, #tpu.memory_space<vmem>> -> memref<8192xf32, #tpu.memory_space<vmem>>
      %dma_wait3A_65 = tpu.memref_slice %arg2[%add3A_31] : memref<1000000xf32, #tpu.memory_space<hbm>> -> memref<8192xf32, #tpu.memory_space<hbm>>
      %dma_wait3A_66 = tpu.memref_slice %arg8[%run_scoped3A_32] : memref<8192xf32, #tpu.memory_space<vmem>> -> memref<8192xf32, #tpu.memory_space<vmem>>
      %dma_wait3A_67 = tpu.memref_slice %arg2[%add3A_31] : memref<1000000xf32, #tpu.memory_space<hbm>> -> memref<8192xf32, #tpu.memory_space<hbm>>
      tpu.wait_dma2 semaphore(%run_scoped3A_59 : memref<!tpu.dma_semaphore, #tpu.memory_space<semaphore_mem>>) src(%dma_wait3A_67 : memref<8192xf32, #tpu.memory_space<hbm>>) dst(%dma_wait3A_66 : memref<8192xf32, #tpu.memory_space<vmem>>)
      tpu.yield
    }) : () -> ()
    %add3A_33 = arith.constant 32768 : i32
    %add3A_34 = arith.addi %min3A_6, %add3A_33 : i32
    %run_scoped3A_35 = arith.constant 0 : i32
    "tpu.region"() ({
      %run_scoped3A_59 = tpu.sem_alloc : memref<!tpu.dma_semaphore, #tpu.memory_space<semaphore_mem>>
      %dma_start3A_60 = tpu.memref_slice %arg8[%run_scoped3A_35] : memref<8192xf32, #tpu.memory_space<vmem>> -> memref<8192xf32, #tpu.memory_space<vmem>>
      %dma_start3A_61 = tpu.memref_slice %arg7[%add3A_34] : memref<1000000xf32, #tpu.memory_space<vmem_shared>> -> memref<8192xf32, #tpu.memory_space<vmem_shared>>
      %dma_start3A_62 = tpu.memref_slice %arg7[%add3A_34] : memref<1000000xf32, #tpu.memory_space<vmem_shared>> -> memref<8192xf32, #tpu.memory_space<vmem_shared>>
      %dma_start3A_63 = tpu.memref_slice %arg8[%run_scoped3A_35] : memref<8192xf32, #tpu.memory_space<vmem>> -> memref<8192xf32, #tpu.memory_space<vmem>>
      tpu.enqueue_dma source(%dma_start3A_63 : memref<8192xf32, #tpu.memory_space<vmem>>) target(%dma_start3A_62 : memref<8192xf32, #tpu.memory_space<vmem_shared>>) target_semaphore(%run_scoped3A_59 : memref<!tpu.dma_semaphore, #tpu.memory_space<semaphore_mem>>)
      %dma_wait3A_64 = tpu.memref_slice %arg8[%run_scoped3A_35] : memref<8192xf32, #tpu.memory_space<vmem>> -> memref<8192xf32, #tpu.memory_space<vmem>>
      %dma_wait3A_65 = tpu.memref_slice %arg7[%add3A_34] : memref<1000000xf32, #tpu.memory_space<vmem_shared>> -> memref<8192xf32, #tpu.memory_space<vmem_shared>>
      %dma_wait3A_66 = tpu.memref_slice %arg7[%add3A_34] : memref<1000000xf32, #tpu.memory_space<vmem_shared>> -> memref<8192xf32, #tpu.memory_space<vmem_shared>>
      %dma_wait3A_67 = tpu.memref_slice %arg8[%run_scoped3A_35] : memref<8192xf32, #tpu.memory_space<vmem>> -> memref<8192xf32, #tpu.memory_space<vmem>>
      tpu.wait_dma2 semaphore(%run_scoped3A_59 : memref<!tpu.dma_semaphore, #tpu.memory_space<semaphore_mem>>) src(%dma_wait3A_67 : memref<8192xf32, #tpu.memory_space<vmem>>) dst(%dma_wait3A_66 : memref<8192xf32, #tpu.memory_space<vmem_shared>>)
      tpu.yield
    }) : () -> ()
    %add3A_36 = arith.constant 40960 : i32
    %add3A_37 = arith.addi %min3A_6, %add3A_36 : i32
    %run_scoped3A_38 = arith.constant 0 : i32
    "tpu.region"() ({
      %run_scoped3A_59 = tpu.sem_alloc : memref<!tpu.dma_semaphore, #tpu.memory_space<semaphore_mem>>
      %dma_start3A_60 = tpu.memref_slice %arg8[%run_scoped3A_38] : memref<8192xf32, #tpu.memory_space<vmem>> -> memref<8192xf32, #tpu.memory_space<vmem>>
      %dma_start3A_61 = tpu.memref_slice %arg2[%add3A_37] : memref<1000000xf32, #tpu.memory_space<hbm>> -> memref<8192xf32, #tpu.memory_space<hbm>>
      %dma_start3A_62 = tpu.memref_slice %arg8[%run_scoped3A_38] : memref<8192xf32, #tpu.memory_space<vmem>> -> memref<8192xf32, #tpu.memory_space<vmem>>
      %dma_start3A_63 = tpu.memref_slice %arg2[%add3A_37] : memref<1000000xf32, #tpu.memory_space<hbm>> -> memref<8192xf32, #tpu.memory_space<hbm>>
      tpu.enqueue_dma source(%dma_start3A_63 : memref<8192xf32, #tpu.memory_space<hbm>>) target(%dma_start3A_62 : memref<8192xf32, #tpu.memory_space<vmem>>) target_semaphore(%run_scoped3A_59 : memref<!tpu.dma_semaphore, #tpu.memory_space<semaphore_mem>>)
      %dma_wait3A_64 = tpu.memref_slice %arg8[%run_scoped3A_38] : memref<8192xf32, #tpu.memory_space<vmem>> -> memref<8192xf32, #tpu.memory_space<vmem>>
      %dma_wait3A_65 = tpu.memref_slice %arg2[%add3A_37] : memref<1000000xf32, #tpu.memory_space<hbm>> -> memref<8192xf32, #tpu.memory_space<hbm>>
      %dma_wait3A_66 = tpu.memref_slice %arg8[%run_scoped3A_38] : memref<8192xf32, #tpu.memory_space<vmem>> -> memref<8192xf32, #tpu.memory_space<vmem>>
      %dma_wait3A_67 = tpu.memref_slice %arg2[%add3A_37] : memref<1000000xf32, #tpu.memory_space<hbm>> -> memref<8192xf32, #tpu.memory_space<hbm>>
      tpu.wait_dma2 semaphore(%run_scoped3A_59 : memref<!tpu.dma_semaphore, #tpu.memory_space<semaphore_mem>>) src(%dma_wait3A_67 : memref<8192xf32, #tpu.memory_space<hbm>>) dst(%dma_wait3A_66 : memref<8192xf32, #tpu.memory_space<vmem>>)
      tpu.yield
    }) : () -> ()
    %add3A_39 = arith.constant 40960 : i32
    %add3A_40 = arith.addi %min3A_6, %add3A_39 : i32
    %run_scoped3A_41 = arith.constant 0 : i32
    "tpu.region"() ({
      %run_scoped3A_59 = tpu.sem_alloc : memref<!tpu.dma_semaphore, #tpu.memory_space<semaphore_mem>>
      %dma_start3A_60 = tpu.memref_slice %arg8[%run_scoped3A_41] : memref<8192xf32, #tpu.memory_space<vmem>> -> memref<8192xf32, #tpu.memory_space<vmem>>
      %dma_start3A_61 = tpu.memref_slice %arg7[%add3A_40] : memref<1000000xf32, #tpu.memory_space<vmem_shared>> -> memref<8192xf32, #tpu.memory_space<vmem_shared>>
      %dma_start3A_62 = tpu.memref_slice %arg7[%add3A_40] : memref<1000000xf32, #tpu.memory_space<vmem_shared>> -> memref<8192xf32, #tpu.memory_space<vmem_shared>>
      %dma_start3A_63 = tpu.memref_slice %arg8[%run_scoped3A_41] : memref<8192xf32, #tpu.memory_space<vmem>> -> memref<8192xf32, #tpu.memory_space<vmem>>
      tpu.enqueue_dma source(%dma_start3A_63 : memref<8192xf32, #tpu.memory_space<vmem>>) target(%dma_start3A_62 : memref<8192xf32, #tpu.memory_space<vmem_shared>>) target_semaphore(%run_scoped3A_59 : memref<!tpu.dma_semaphore, #tpu.memory_space<semaphore_mem>>)
      %dma_wait3A_64 = tpu.memref_slice %arg8[%run_scoped3A_41] : memref<8192xf32, #tpu.memory_space<vmem>> -> memref<8192xf32, #tpu.memory_space<vmem>>
      %dma_wait3A_65 = tpu.memref_slice %arg7[%add3A_40] : memref<1000000xf32, #tpu.memory_space<vmem_shared>> -> memref<8192xf32, #tpu.memory_space<vmem_shared>>
      %dma_wait3A_66 = tpu.memref_slice %arg7[%add3A_40] : memref<1000000xf32, #tpu.memory_space<vmem_shared>> -> memref<8192xf32, #tpu.memory_space<vmem_shared>>
      %dma_wait3A_67 = tpu.memref_slice %arg8[%run_scoped3A_41] : memref<8192xf32, #tpu.memory_space<vmem>> -> memref<8192xf32, #tpu.memory_space<vmem>>
      tpu.wait_dma2 semaphore(%run_scoped3A_59 : memref<!tpu.dma_semaphore, #tpu.memory_space<semaphore_mem>>) src(%dma_wait3A_67 : memref<8192xf32, #tpu.memory_space<vmem>>) dst(%dma_wait3A_66 : memref<8192xf32, #tpu.memory_space<vmem_shared>>)
      tpu.yield
    }) : () -> ()
    %add3A_42 = arith.constant 49152 : i32
    %add3A_43 = arith.addi %min3A_6, %add3A_42 : i32
    %run_scoped3A_44 = arith.constant 0 : i32
    "tpu.region"() ({
      %run_scoped3A_59 = tpu.sem_alloc : memref<!tpu.dma_semaphore, #tpu.memory_space<semaphore_mem>>
      %dma_start3A_60 = tpu.memref_slice %arg8[%run_scoped3A_44] : memref<8192xf32, #tpu.memory_space<vmem>> -> memref<8192xf32, #tpu.memory_space<vmem>>
      %dma_start3A_61 = tpu.memref_slice %arg2[%add3A_43] : memref<1000000xf32, #tpu.memory_space<hbm>> -> memref<8192xf32, #tpu.memory_space<hbm>>
      %dma_start3A_62 = tpu.memref_slice %arg8[%run_scoped3A_44] : memref<8192xf32, #tpu.memory_space<vmem>> -> memref<8192xf32, #tpu.memory_space<vmem>>
      %dma_start3A_63 = tpu.memref_slice %arg2[%add3A_43] : memref<1000000xf32, #tpu.memory_space<hbm>> -> memref<8192xf32, #tpu.memory_space<hbm>>
      tpu.enqueue_dma source(%dma_start3A_63 : memref<8192xf32, #tpu.memory_space<hbm>>) target(%dma_start3A_62 : memref<8192xf32, #tpu.memory_space<vmem>>) target_semaphore(%run_scoped3A_59 : memref<!tpu.dma_semaphore, #tpu.memory_space<semaphore_mem>>)
      %dma_wait3A_64 = tpu.memref_slice %arg8[%run_scoped3A_44] : memref<8192xf32, #tpu.memory_space<vmem>> -> memref<8192xf32, #tpu.memory_space<vmem>>
      %dma_wait3A_65 = tpu.memref_slice %arg2[%add3A_43] : memref<1000000xf32, #tpu.memory_space<hbm>> -> memref<8192xf32, #tpu.memory_space<hbm>>
      %dma_wait3A_66 = tpu.memref_slice %arg8[%run_scoped3A_44] : memref<8192xf32, #tpu.memory_space<vmem>> -> memref<8192xf32, #tpu.memory_space<vmem>>
      %dma_wait3A_67 = tpu.memref_slice %arg2[%add3A_43] : memref<1000000xf32, #tpu.memory_space<hbm>> -> memref<8192xf32, #tpu.memory_space<hbm>>
      tpu.wait_dma2 semaphore(%run_scoped3A_59 : memref<!tpu.dma_semaphore, #tpu.memory_space<semaphore_mem>>) src(%dma_wait3A_67 : memref<8192xf32, #tpu.memory_space<hbm>>) dst(%dma_wait3A_66 : memref<8192xf32, #tpu.memory_space<vmem>>)
      tpu.yield
    }) : () -> ()
    %add3A_45 = arith.constant 49152 : i32
    %add3A_46 = arith.addi %min3A_6, %add3A_45 : i32
    %run_scoped3A_47 = arith.constant 0 : i32
    "tpu.region"() ({
      %run_scoped3A_59 = tpu.sem_alloc : memref<!tpu.dma_semaphore, #tpu.memory_space<semaphore_mem>>
      %dma_start3A_60 = tpu.memref_slice %arg8[%run_scoped3A_47] : memref<8192xf32, #tpu.memory_space<vmem>> -> memref<8192xf32, #tpu.memory_space<vmem>>
      %dma_start3A_61 = tpu.memref_slice %arg7[%add3A_46] : memref<1000000xf32, #tpu.memory_space<vmem_shared>> -> memref<8192xf32, #tpu.memory_space<vmem_shared>>
      %dma_start3A_62 = tpu.memref_slice %arg7[%add3A_46] : memref<1000000xf32, #tpu.memory_space<vmem_shared>> -> memref<8192xf32, #tpu.memory_space<vmem_shared>>
      %dma_start3A_63 = tpu.memref_slice %arg8[%run_scoped3A_47] : memref<8192xf32, #tpu.memory_space<vmem>> -> memref<8192xf32, #tpu.memory_space<vmem>>
      tpu.enqueue_dma source(%dma_start3A_63 : memref<8192xf32, #tpu.memory_space<vmem>>) target(%dma_start3A_62 : memref<8192xf32, #tpu.memory_space<vmem_shared>>) target_semaphore(%run_scoped3A_59 : memref<!tpu.dma_semaphore, #tpu.memory_space<semaphore_mem>>)
      %dma_wait3A_64 = tpu.memref_slice %arg8[%run_scoped3A_47] : memref<8192xf32, #tpu.memory_space<vmem>> -> memref<8192xf32, #tpu.memory_space<vmem>>
      %dma_wait3A_65 = tpu.memref_slice %arg7[%add3A_46] : memref<1000000xf32, #tpu.memory_space<vmem_shared>> -> memref<8192xf32, #tpu.memory_space<vmem_shared>>
      %dma_wait3A_66 = tpu.memref_slice %arg7[%add3A_46] : memref<1000000xf32, #tpu.memory_space<vmem_shared>> -> memref<8192xf32, #tpu.memory_space<vmem_shared>>
      %dma_wait3A_67 = tpu.memref_slice %arg8[%run_scoped3A_47] : memref<8192xf32, #tpu.memory_space<vmem>> -> memref<8192xf32, #tpu.memory_space<vmem>>
      tpu.wait_dma2 semaphore(%run_scoped3A_59 : memref<!tpu.dma_semaphore, #tpu.memory_space<semaphore_mem>>) src(%dma_wait3A_67 : memref<8192xf32, #tpu.memory_space<vmem>>) dst(%dma_wait3A_66 : memref<8192xf32, #tpu.memory_space<vmem_shared>>)
      tpu.yield
    }) : () -> ()
    %add3A_48 = arith.constant 57344 : i32
    %add3A_49 = arith.addi %min3A_6, %add3A_48 : i32
    %run_scoped3A_50 = arith.constant 0 : i32
    "tpu.region"() ({
      %run_scoped3A_59 = tpu.sem_alloc : memref<!tpu.dma_semaphore, #tpu.memory_space<semaphore_mem>>
      %dma_start3A_60 = tpu.memref_slice %arg8[%run_scoped3A_50] : memref<8192xf32, #tpu.memory_space<vmem>> -> memref<5160xf32, #tpu.memory_space<vmem>>
      %dma_start3A_61 = tpu.memref_slice %arg2[%add3A_49] : memref<1000000xf32, #tpu.memory_space<hbm>> -> memref<5160xf32, #tpu.memory_space<hbm>>
      %dma_start3A_62 = tpu.memref_slice %arg8[%run_scoped3A_50] : memref<8192xf32, #tpu.memory_space<vmem>> -> memref<5160xf32, #tpu.memory_space<vmem>>
      %dma_start3A_63 = tpu.memref_slice %arg2[%add3A_49] : memref<1000000xf32, #tpu.memory_space<hbm>> -> memref<5160xf32, #tpu.memory_space<hbm>>
      tpu.enqueue_dma source(%dma_start3A_63 : memref<5160xf32, #tpu.memory_space<hbm>>) target(%dma_start3A_62 : memref<5160xf32, #tpu.memory_space<vmem>>) target_semaphore(%run_scoped3A_59 : memref<!tpu.dma_semaphore, #tpu.memory_space<semaphore_mem>>)
      %dma_wait3A_64 = tpu.memref_slice %arg8[%run_scoped3A_50] : memref<8192xf32, #tpu.memory_space<vmem>> -> memref<5160xf32, #tpu.memory_space<vmem>>
      %dma_wait3A_65 = tpu.memref_slice %arg2[%add3A_49] : memref<1000000xf32, #tpu.memory_space<hbm>> -> memref<5160xf32, #tpu.memory_space<hbm>>
      %dma_wait3A_66 = tpu.memref_slice %arg8[%run_scoped3A_50] : memref<8192xf32, #tpu.memory_space<vmem>> -> memref<5160xf32, #tpu.memory_space<vmem>>
      %dma_wait3A_67 = tpu.memref_slice %arg2[%add3A_49] : memref<1000000xf32, #tpu.memory_space<hbm>> -> memref<5160xf32, #tpu.memory_space<hbm>>
      tpu.wait_dma2 semaphore(%run_scoped3A_59 : memref<!tpu.dma_semaphore, #tpu.memory_space<semaphore_mem>>) src(%dma_wait3A_67 : memref<5160xf32, #tpu.memory_space<hbm>>) dst(%dma_wait3A_66 : memref<5160xf32, #tpu.memory_space<vmem>>)
      tpu.yield
    }) : () -> ()
    %add3A_51 = arith.constant 57344 : i32
    %add3A_52 = arith.addi %min3A_6, %add3A_51 : i32
    %run_scoped3A_53 = arith.constant 0 : i32
    "tpu.region"() ({
      %run_scoped3A_59 = tpu.sem_alloc : memref<!tpu.dma_semaphore, #tpu.memory_space<semaphore_mem>>
      %dma_start3A_60 = tpu.memref_slice %arg8[%run_scoped3A_53] : memref<8192xf32, #tpu.memory_space<vmem>> -> memref<5160xf32, #tpu.memory_space<vmem>>
      %dma_start3A_61 = tpu.memref_slice %arg7[%add3A_52] : memref<1000000xf32, #tpu.memory_space<vmem_shared>> -> memref<5160xf32, #tpu.memory_space<vmem_shared>>
      %dma_start3A_62 = tpu.memref_slice %arg7[%add3A_52] : memref<1000000xf32, #tpu.memory_space<vmem_shared>> -> memref<5160xf32, #tpu.memory_space<vmem_shared>>
      %dma_start3A_63 = tpu.memref_slice %arg8[%run_scoped3A_53] : memref<8192xf32, #tpu.memory_space<vmem>> -> memref<5160xf32, #tpu.memory_space<vmem>>
      tpu.enqueue_dma source(%dma_start3A_63 : memref<5160xf32, #tpu.memory_space<vmem>>) target(%dma_start3A_62 : memref<5160xf32, #tpu.memory_space<vmem_shared>>) target_semaphore(%run_scoped3A_59 : memref<!tpu.dma_semaphore, #tpu.memory_space<semaphore_mem>>)
      %dma_wait3A_64 = tpu.memref_slice %arg8[%run_scoped3A_53] : memref<8192xf32, #tpu.memory_space<vmem>> -> memref<5160xf32, #tpu.memory_space<vmem>>
      %dma_wait3A_65 = tpu.memref_slice %arg7[%add3A_52] : memref<1000000xf32, #tpu.memory_space<vmem_shared>> -> memref<5160xf32, #tpu.memory_space<vmem_shared>>
      %dma_wait3A_66 = tpu.memref_slice %arg7[%add3A_52] : memref<1000000xf32, #tpu.memory_space<vmem_shared>> -> memref<5160xf32, #tpu.memory_space<vmem_shared>>
      %dma_wait3A_67 = tpu.memref_slice %arg8[%run_scoped3A_53] : memref<8192xf32, #tpu.memory_space<vmem>> -> memref<5160xf32, #tpu.memory_space<vmem>>
      tpu.wait_dma2 semaphore(%run_scoped3A_59 : memref<!tpu.dma_semaphore, #tpu.memory_space<semaphore_mem>>) src(%dma_wait3A_67 : memref<5160xf32, #tpu.memory_space<vmem>>) dst(%dma_wait3A_66 : memref<5160xf32, #tpu.memory_space<vmem_shared>>)
      tpu.yield
    }) : () -> ()
    %barrier3A = arith.constant 0 : index
    tpu.barrier barrier_id(%barrier3A)
    %dma_wait3A = tpu.memref_slice %arg3[%mul3A_2] : memref<425984xi32, #tpu.memory_space<hbm>> -> memref<13312xi32, #tpu.memory_space<hbm>>
    %dma_wait3A_54 = tpu.memref_slice %arg3[%mul3A_2] : memref<425984xi32, #tpu.memory_space<hbm>> -> memref<13312xi32, #tpu.memory_space<hbm>>
    tpu.wait_dma2 semaphore(%arg9 : memref<!tpu.dma_semaphore, #tpu.memory_space<semaphore_mem>>) src(%dma_wait3A_54 : memref<13312xi32, #tpu.memory_space<hbm>>) dst(%arg5 : memref<13312xi32, #tpu.memory_space<vmem>>)
    %dma_start3A_55 = arith.constant 0 : i32
    %dma_start3A_56 = tpu.memref_slice %arg7[%dma_start3A_55] : memref<1000000xf32, #tpu.memory_space<vmem_shared>> -> memref<1000000xf32, #tpu.memory_space<vmem_shared>>
    tpu.enqueue_indirect_dma source(%dma_start3A_56 : memref<1000000xf32, #tpu.memory_space<vmem_shared>>) target(%arg6 : memref<13312xf32, #tpu.memory_space<vmem>>) offsets(%arg5 : memref<13312xi32, #tpu.memory_space<vmem>>) semaphore(%arg9 : memref<!tpu.dma_semaphore, #tpu.memory_space<semaphore_mem>>)
    %dma_wait3A_57 = arith.constant 0 : i32
    %dma_wait3A_58 = tpu.memref_slice %arg7[%dma_wait3A_57] : memref<1000000xf32, #tpu.memory_space<vmem_shared>> -> memref<1000000xf32, #tpu.memory_space<vmem_shared>>
    tpu.wait_indirect_dma semaphore(%arg9 : memref<!tpu.dma_semaphore, #tpu.memory_space<semaphore_mem>>) src(%dma_wait3A_58 : memref<1000000xf32, #tpu.memory_space<vmem_shared>>) dst(%arg6 : memref<13312xf32, #tpu.memory_space<vmem>>)
    "tpu.region"() ({
      %run_scoped3A_59 = tpu.sem_alloc : memref<!tpu.dma_semaphore, #tpu.memory_space<semaphore_mem>>
      %dma_start3A_60 = tpu.memref_slice %arg4[%mul3A_2] : memref<425984xf32, #tpu.memory_space<hbm>> -> memref<13312xf32, #tpu.memory_space<hbm>>
      %dma_start3A_61 = tpu.memref_slice %arg4[%mul3A_2] : memref<425984xf32, #tpu.memory_space<hbm>> -> memref<13312xf32, #tpu.memory_space<hbm>>
      tpu.enqueue_dma source(%arg6 : memref<13312xf32, #tpu.memory_space<vmem>>) target(%dma_start3A_61 : memref<13312xf32, #tpu.memory_space<hbm>>) target_semaphore(%run_scoped3A_59 : memref<!tpu.dma_semaphore, #tpu.memory_space<semaphore_mem>>)
      %dma_wait3A_62 = tpu.memref_slice %arg4[%mul3A_2] : memref<425984xf32, #tpu.memory_space<hbm>> -> memref<13312xf32, #tpu.memory_space<hbm>>
      %dma_wait3A_63 = tpu.memref_slice %arg4[%mul3A_2] : memref<425984xf32, #tpu.memory_space<hbm>> -> memref<13312xf32, #tpu.memory_space<hbm>>
      tpu.wait_dma2 semaphore(%run_scoped3A_59 : memref<!tpu.dma_semaphore, #tpu.memory_space<semaphore_mem>>) src(%arg6 : memref<13312xf32, #tpu.memory_space<vmem>>) dst(%dma_wait3A_63 : memref<13312xf32, #tpu.memory_space<hbm>>)
      tpu.yield
    }) : () -> ()
    return
  }
}

module attributes {stable_mosaic.version = 14 : i64} {
  func.func @_tc_body(%arg0: i32, %arg1: memref<2048x416xf32, #tpu.memory_space<vmem>>, %arg2: memref<416x16xf32, #tpu.memory_space<vmem>>, %arg3: memref<2048x26xf32, #tpu.memory_space<vmem>>, %arg4: memref<2048x26xf32, #tpu.memory_space<vmem>>, %arg5: memref<1xf32, #tpu.memory_space<smem>>, %arg6: memref<2048xf32, #tpu.memory_space<vmem>>) attributes {dimension_semantics = [#tpu.dimension_semantics<arbitrary>], iteration_bounds = array<i64: 8>, scalar_prefetch = 0 : i64, scratch_operands = 0 : i64, tpu.core_type = #tpu.core_type<tc>, window_params = [{transform_indices = @transform_0, window_bounds = array<i64: 2048, 416>}, {pipeline_mode = #tpu.pipeline_mode<synchronous>, transform_indices = @transform_1, window_bounds = array<i64: 416, 16>}, {transform_indices = @transform_2, window_bounds = array<i64: 2048, 26>}, {transform_indices = @transform_3, window_bounds = array<i64: 2048, 26>}, {transform_indices = @transform_4, window_bounds = array<i64: 1>}, {transform_indices = @transform_5, window_bounds = array<i64: 2048>}]} {
    %get3A = arith.constant 0 : index
    %get3A_0 = arith.constant 0 : index
    %get3A_1 = vector.load %arg1[%get3A, %get3A_0] : memref<2048x416xf32, #tpu.memory_space<vmem>>, vector<2048x416xf32>
    %get3A_2 = arith.constant 0 : index
    %get3A_3 = arith.constant 0 : index
    %get3A_4 = vector.load %arg2[%get3A_2, %get3A_3] : memref<416x16xf32, #tpu.memory_space<vmem>>, vector<416x16xf32>
    %dot_general3A = arith.constant dense<0.000000e+00> : vector<2048x16xf32>
    %dot_general3A_5 = tpu.matmul %get3A_1, %get3A_4, %dot_general3A {dimension_numbers = #tpu.dot_dimension_numbers<[1], [0], [0], [1], [0, 0, 1, 1], [], []>, transpose_lhs_hint = false} : vector<2048x416xf32>, vector<416x16xf32>, vector<2048x16xf32> -> vector<2048x16xf32>
    %mul3A = arith.mulf %dot_general3A_5, %dot_general3A_5 : vector<2048x16xf32>
    %reduce_sum3A = arith.constant dense<0.000000e+00> : vector<2048xf32>
    %reduce_sum3A_6 = vector.multi_reduction <add>, %mul3A, %reduce_sum3A [1] : vector<2048x16xf32> to vector<2048xf32>
    %mul3A_7 = arith.mulf %get3A_1, %get3A_1 : vector<2048x416xf32>
    %reduce_sum3A_8 = arith.constant dense<0.000000e+00> : vector<2048xf32>
    %reduce_sum3A_9 = vector.multi_reduction <add>, %mul3A_7, %reduce_sum3A_8 [1] : vector<2048x416xf32> to vector<2048xf32>
    %get3A_10 = arith.constant 0 : index
    %get3A_11 = arith.constant 0 : index
    %get3A_12 = vector.load %arg3[%get3A_10, %get3A_11] : memref<2048x26xf32, #tpu.memory_space<vmem>>, vector<2048x26xf32>
    %get3A_13 = arith.constant 0 : index
    %get3A_14 = arith.constant 0 : index
    %get3A_15 = vector.load %arg4[%get3A_13, %get3A_14] : memref<2048x26xf32, #tpu.memory_space<vmem>>, vector<2048x26xf32>
    %mul3A_16 = arith.mulf %get3A_12, %get3A_15 : vector<2048x26xf32>
    %reduce_sum3A_17 = arith.constant dense<0.000000e+00> : vector<2048xf32>
    %reduce_sum3A_18 = vector.multi_reduction <add>, %mul3A_16, %reduce_sum3A_17 [1] : vector<2048x26xf32> to vector<2048xf32>
    %sub3A = arith.subf %reduce_sum3A_6, %reduce_sum3A_9 : vector<2048xf32>
    %mul3A_19 = arith.constant 3.125000e-02 : f32
    %mul3A_20 = vector.broadcast %mul3A_19 : f32 to vector<2048xf32>
    %mul3A_21 = arith.mulf %sub3A, %mul3A_20 : vector<2048xf32>
    %add3A = arith.addf %mul3A_21, %reduce_sum3A_18 : vector<2048xf32>
    %get3A_22 = arith.constant 0 : index
    %get3A_23 = memref.load %arg5[%get3A_22] : memref<1xf32, #tpu.memory_space<smem>>
    %add3A_24 = vector.broadcast %get3A_23 : f32 to vector<2048xf32>
    %add3A_25 = arith.addf %add3A, %add3A_24 : vector<2048xf32>
    %swap3A = arith.constant 0 : index
    %swap3A_26 = vector.load %arg6[%swap3A] : memref<2048xf32, #tpu.memory_space<vmem>>, vector<2048xf32>
    tpu.vector_store %arg6[%swap3A], %add3A_25 {strides = array<i32>} : memref<2048xf32, #tpu.memory_space<vmem>>, vector<2048xf32>,
    return
  }
  func.func @transform_0(%arg0: i32) -> (i32, i32) {
    %c0_i32 = arith.constant 0 : i32
    %c0_i32_0 = arith.constant 0 : i32
    return %arg0, %c0_i32 : i32, i32
  }
  func.func @transform_1(%arg0: i32) -> (i32, i32) {
    %c0_i32 = arith.constant 0 : i32
    %c0_i32_0 = arith.constant 0 : i32
    %c0_i32_1 = arith.constant 0 : i32
    return %c0_i32, %c0_i32_0 : i32, i32
  }
  func.func @transform_2(%arg0: i32) -> (i32, i32) {
    %c0_i32 = arith.constant 0 : i32
    %c0_i32_0 = arith.constant 0 : i32
    return %arg0, %c0_i32 : i32, i32
  }
  func.func @transform_3(%arg0: i32) -> (i32, i32) {
    %c0_i32 = arith.constant 0 : i32
    %c0_i32_0 = arith.constant 0 : i32
    return %arg0, %c0_i32 : i32, i32
  }
  func.func @transform_4(%arg0: i32) -> i32 {
    %c0_i32 = arith.constant 0 : i32
    %c0_i32_0 = arith.constant 0 : i32
    return %c0_i32 : i32
  }
  func.func @transform_5(%arg0: i32) -> i32 {
    %c0_i32 = arith.constant 0 : i32
    return %arg0 : i32
  }
}

</mosaic_0001>

<sc_bundles>
// kernel: kernel.4.cloned.1.call-start
scs
__scs_entry_jumppad:
0x0: {  	(pc) =	sbr.rel $0x88, $3  }
0x1: {  	(tag) =	ssettag $0x0;
	lr =	simm.s32 $0x1  }
0x2: {  	[smem:$0x3F9C] =	sst lr;
	_ =	strace $0xD0000000  }
0x3: {  	_ = 	snop  }
0x4: {  	_ = 	snop  }
0x5: {  	_ = 	snop  }
0x6: {  	_ = 	snop  }
0x7: {  	_ = 	snop  }
__scs_overlays_trampoline_lowered:
0x8: {  	[smem:$0x3FAB] =	sst s0  }
0x9: {  	[smem:$0x3FAC] =	sst s1  }
0xa: {  	[smem:$0x3FAD] =	sst s2  }
0xb: {  	[smem:$0x3FAE] =	sst s3  }
0xc: {  	[smem:$0x3FAF] =	sst s4  }
0xd: {  	[smem:$0x3FB0] =	sst s5  }
0xe: {  	[smem:$0x3FB1] =	sst s6  }
0xf: {  	[smem:$0x3FB2] =	sst s7  }
0x10: {  	[smem:$0x3FB3] =	sst s8  }
0x11: {  	[smem:$0x3FB4] =	sst s9;
	s0 =	simm.s32 @!p0 $0x0  }
0x12: {  	s1 =	sld [smem:$0x3F9A];
	s0 =	simm.s32 @p0 $0x1  }
0x13: {  	[smem:$0x3FB5] =	sst s0;
	s0 =	simm.s32 @!p1 $0x0  }
0x14: {  	s2 =	sld [smem:$0x3F99];
	s0 =	simm.s32 @p1 $0x1  }
0x15: {  	[smem:$0x3FB6] =	sst s0;
	s0 =	simm.s32 @!p2 $0x0  }
0x16: {  	s3 =	sld [smem:$0x3FDB];
	s0 =	simm.s32 @p2 $0x1  }
0x17: {  	s4 =	simm.s32 $0x1BF5;
	[smem:$0x3FB8] =	sst s0  }
0x18: {  	s0 =	sld [smem:$0x3F9B];
	_ =	swait.ge [sflag:s4], $0x0  }
0x19: {  	s7 =	sld [smem:$0x3F9C]  }
0x1a: {  	s8 =	sadd.s32 $0xFFFFE003, lr  }
0x1b: {  	s9 =	sadd.s32 $0xFFFFFEF7, lr;
	s5 =	simm.s32 $0xFFFFFFFF;
	p2 =	slt.u32 s8, $0xFFFFF086  }
0x1c: {  	p1 =	slt.u32 s9, $0xF7A;
	s5 =	simm.s32 @!p2 $0x0  }
0x1d: {  	s5 =	simm.s32 @p1 $0x1;
	p0 =	seq.s32 s7, s2  }
0x1e: {  	s7 =	smul.u32 @!p0 $0xF7A, s2;
	p2 =	seq.s32 @!p0 s5, $0x0  }
0x1f: {  	s9 =	smul.u32 $0xF7A, s1;
	s8 =	simm.s32 @!p0 $0x1BF5;
	p2 =	por !p2, p0  }
0x20: {  	[sflag:s8] =	ssyncset.s32 @!p0 $0xFFFFF086;
	s6 =	sadd.s32 @!p0 s3, s7;
	s7 =	simm.s32 @!p0 $0x108  }
0x21: {  	s3 =	sadd.s32 s3, s9;
	s6 =	sadd.s32 @!p0 $0x88, s6;
	s7 =	simm.s32 @p2 $0x1082  }
0x22: {  	[simem:s7], [sflag:s8] =	dma.local @!p0 [hbm:s6], $0xF7A  }
0x23: {  	s9 =	sor.u32 $0xD0000000, s2;
	s6 =	simm.s32 $0x108;
	_ =	swait.ge @!p0 [sflag:s8], $0x0  }
0x24: {  	s3 =	sadd.s32 $0x88, s3;
	s6 =	simm.s32 @!p1 $0x1082;
	[sflag:s4] =	ssyncset.s32 $0xFFFFF086  }
0x25: {  	[simem:s6], [sflag:s4] =	dma.local [hbm:s3], $0xF7A  }
0x26: {  	[smem:$0x3F9C] =	sst s1;
	(tag) =	ssettag s2;
	_ =	strace s9  }
0x27: {  	s1 =	sld [smem:$0x3FAC]  }
0x28: {  	s2 =	sld [smem:$0x3FAD]  }
0x29: {  	s4 =	sld [smem:$0x3FAF]  }
0x2a: {  	p0 =	seq.s32 s5, $0x0;
	s5 =	sld [smem:$0x3FB0]  }
0x2b: {  	s6 =	sld [smem:$0x3FB1]  }
0x2c: {  	s7 =	sld [smem:$0x3FB2]  }
0x2d: {  	s3 =	simm.s32 $0x108;
	s8 =	sld [smem:$0x3FB3]  }
0x2e: {  	s3 =	simm.s32 @!p0 $0x1082;
	s9 =	sld [smem:$0x3FB4]  }
0x2f: {  	lr =	sadd.s32 s0, s3;
	s0 =	sld [smem:$0x3FAB]  }
0x30: {  	s3 =	sld [smem:$0x3FAE]  }
0x31: {  	[smem:$0x3FB7] =	sst s10  }
0x32: {  	s10 =	sld [smem:$0x3FB5];
	_ =	sdelay $0x3  }
0x33: {  	p0 =	seq.s32 s10, $0x1;
	s10 =	sld [smem:$0x3FB7];
	_ =	sdelay $0x3  }
0x34: {  	[smem:$0x3FB7] =	sst s10  }
0x35: {  	s10 =	sld [smem:$0x3FB6];
	_ =	sdelay $0x3  }
0x36: {  	p1 =	seq.s32 s10, $0x1;
	s10 =	sld [smem:$0x3FB7];
	_ =	sdelay $0x3  }
0x37: {  	[smem:$0x3FB7] =	sst s10  }
0x38: {  	s10 =	sld [smem:$0x3FB8]  }
0x39: {  	_ = 	snop;
	(pc) =	sbr.ind lr, $3  }
0x3a: {  	_ = 	snop  }
0x3b: {  	_ = 	snop  }
0x3c: {  	p2 =	seq.s32 s10, $0x1;
	s10 =	sld [smem:$0x3FB7]  }
0x3d: {  	_ =	shalt  }
0x3e: {  	_ =	shalt  }
0x3f: {  	_ =	shalt  }
0x40: {  	_ =	shalt  }
0x41: {  	_ =	shalt  }
0x42: {  	_ =	shalt  }
0x43: {  	_ =	shalt  }
0x44: {  	_ =	shalt  }
0x45: {  	_ =	shalt  }
0x46: {  	_ =	shalt  }
0x47: {  	_ =	shalt  }
0x48: {  	_ =	shalt  }
0x49: {  	_ =	shalt  }
0x4a: {  	_ =	shalt  }
0x4b: {  	_ =	shalt  }
0x4c: {  	_ =	shalt  }
0x4d: {  	_ =	shalt  }
0x4e: {  	_ =	shalt  }
0x4f: {  	_ =	shalt  }
0x50: {  	_ =	shalt  }
0x51: {  	_ =	shalt  }
0x52: {  	_ =	shalt  }
0x53: {  	_ =	shalt  }
0x54: {  	_ =	shalt  }
0x55: {  	_ =	shalt  }
0x56: {  	_ =	shalt  }
0x57: {  	_ =	shalt  }
0x58: {  	_ =	shalt  }
0x59: {  	_ =	shalt  }
0x5a: {  	_ =	shalt  }
0x5b: {  	_ =	shalt  }
0x5c: {  	_ =	shalt  }
0x5d: {  	_ =	shalt  }
0x5e: {  	_ =	shalt  }
0x5f: {  	_ =	shalt  }
0x60: {  	_ =	shalt  }
0x61: {  	_ =	shalt  }
0x62: {  	_ =	shalt  }
0x63: {  	_ =	shalt  }
0x64: {  	_ =	shalt  }
0x65: {  	_ =	shalt  }
0x66: {  	_ =	shalt  }
0x67: {  	_ =	shalt  }
0x68: {  	_ =	shalt  }
0x69: {  	_ =	shalt  }
0x6a: {  	_ =	shalt  }
0x6b: {  	_ =	shalt  }
0x6c: {  	_ =	shalt  }
0x6d: {  	_ =	shalt  }
0x6e: {  	_ =	shalt  }
0x6f: {  	_ =	shalt  }
0x70: {  	_ =	shalt  }
0x71: {  	_ =	shalt  }
0x72: {  	_ =	shalt  }
0x73: {  	_ =	shalt  }
0x74: {  	_ =	shalt  }
0x75: {  	_ =	shalt  }
0x76: {  	_ =	shalt  }
0x77: {  	_ =	shalt  }
0x78: {  	_ =	shalt  }
0x79: {  	_ =	shalt  }
0x7a: {  	_ =	shalt  }
0x7b: {  	_ =	shalt  }
0x7c: {  	_ =	shalt  }
0x7d: {  	_ =	shalt  }
0x7e: {  	_ =	shalt  }
0x7f: {  	_ =	shalt  }
0x80: {  	_ =	shalt  }
0x81: {  	_ =	shalt  }
0x82: {  	_ =	shalt  }
0x83: {  	_ =	shalt  }
0x84: {  	_ =	shalt  }
0x85: {  	_ =	shalt  }
0x86: {  	_ =	shalt  }
0x87: {  	_ =	shalt  }
.Lfunc_end0:
.L_simem_size_0:
called_computation_lowered:
.L_overlay_start_0:
0x88: {  	s2 =	sld [smem:$0x3FD9]  }
0x89: {  	s3 =	sld [smem:$0x3FFE];
	_ =	sdelay $0x1  }
0x8a: {  	s1 =	srdreg.scid  }
0x8b: {  	s0 =	sand.u32 $0x1, s1  }
0x8c: {  	s16 =	sshll.u32 s0, $0xA;
	s2 =	sadd.s32 s3, s2  }
0x8d: {  	s2 =	sadd.s32 s2, s16  }
0x8e: {  	[smem:$0x3FC3] =	sst s2  }
0x8f: {  	_ = 	snop  }
0x90: {  	(tm) =	ssettm $0x1  }
0x91: {  	s17 =	sld [smem:$0x3FFB];
	_ =	sdelay $0x3  }
0x92: {  	_ =	strace s17  }
0x93: {  	s2 =	sld [smem:$0x3FFC];
	_ =	sdelay $0x3  }
0x94: {  	_ =	strace s2  }
0x95: {  	s2 =	sld [smem:$0x3FFD];
	_ =	sdelay $0x3  }
0x96: {  	_ =	strace s2  }
0x97: {  	_ =	strace $0x8FFFFFFF  }
0x98: {  	s18 =	sld [smem:$0x3FDB];
	_ =	sdelay $0x1  }
0x99: {  	s19 =	simm.s32 $_scs_section_size  }
0x9a: {  	s4 =	simm.s32 $_size__tile_overlayer_lowered;
	s5 =	simm.s32 $_tile_overlayer_lowered  }
0x9b: {  	s22 =	simm.s32 $0x1BFF;
	s21 =	sshll.u32 s5, $0x1;
	s2 =	sadd.s32 s19, s18  }
0x9c: {  	s6 =	simm.s32 $0x0;
	s20 =	sshll.u32 s4, $0x1;
	s4 =	sadd.s32 s21, s2  }
0x9d: {  	[timem:s6], [sflag:s22] =	dma.local [hbm:s4], s20  }
0x9e: {  	_ =	swait.ge [sflag:s22], s20  }
0x9f: {  	s3 =	ssub.s32 $0x0, s20;
	[sflag:s22] =	ssyncset.done $0x0  }
0xa0: {  	[sflag:s22] =	ssyncadd.s32 s3;
	_ =	sdelay $0x1  }
0xa1: {  	s23 =	simm.s32 $0x1B8B  }
0xa2: {  	_ =	swait.ge [sflag:s23], $0x1  }
0xa3: {  	[sflag:s23] =	ssyncset.done $0x0  }
0xa4: {  	s25 =	simm.s32 $0x1B8E;
	s24 =	sld [smem:$0x3FFE];
	[sflag:s23] =	ssyncadd.s32 $0xFFFFFFFF  }
0xa5: {  	s26 =	simm.s32 $execute0_lowered;
	[smem:$0x3FD2] =	sst s25  }
0xa6: {  	s4 =	sshll.u32 s26, $0x1;
	_ =	strace $0x80000046;
	[dreg:$0x1] =	wrdreg $0xFFFFFFFF  }
0xa7: {  	s28 =	simm.s32 $_size_execute0_lowered;
	s2 =	sadd.s32 s2, s4;
	[dreg:$0x0] =	wrdreg $0x0  }
0xa8: {  	s4 =	sshll.u32 s28, $0x1;
	[dreg:$0x2] =	wrdreg s2  }
0xa9: {  	[dreg:$0x3] =	wrdreg s4  }
0xaa: {  	[dreg:$0x4] =	wrdreg $0xC0  }
0xab: {  	_ =	task [dreg:s6], $0x5FFFF  }
0xac: {  	[dreg:$0x1] =	wrdreg $0xFFFFFFFF  }
0xad: {  	[dreg:$0x0] =	wrdreg $0x60  }
0xae: {  	[dreg:$0x2] =	wrdreg s24  }
0xaf: {  	[dreg:$0x3] =	wrdreg $0x68000  }
0xb0: {  	[dreg:$0x4] =	wrdreg $0x9  }
0xb1: {  	_ =	task.clear_ibuf [dreg:s6], $0x5FFFF;
	_ =	strace $0x90000046  }
0xb2: {  	s29 =	simm.s32 $0x9;
	_ =	strace $0x80000048  }
0xb3: {  	_ =	swait.ge [sflag:s29], $0x1  }
0xb4: {  	[sflag:s29] =	ssyncadd.s32 $0xFFFFFFFF  }
0xb5: {  	_ =	strace $0x90000048  }
0xb6: {  	_ =	sfence  }
0xb7: {  	s30 =	sld [smem:$0x0];
	_ =	sdelay $0x2  }
0xb8: {  	s31 =	sshll.u32 s1, $0xD;
	s1 =	sshrl.u32 s1, $0x2  }
0xb9: {  	s3 =	sand.u32 $0x4000, s31;
	s1 =	sadd.s32 s1, s30  }
0xba: {  	s0 =	sor.u32 s3, s0;
	s1 =	sshll.u32 s1, $0x11  }
0xbb: {  	s0 =	sor.u32 s1, s0  }
0xbc: {  	s0 =	sadd.s32 $0x8F2B, s0  }
0xbd: {  	[sflag:s0] =	ssyncadd.remote.s32 $0x1  }
0xbe: {  	_ =	sfence.sel $0xFFFF  }
0xbf: {  	[dreg:$0x0] =	wrdreg $0xFFFFFFFF;
	(pc) =	sbr.abs _section_cstart, $3  }
0xc0: {  	[dreg:$0x1] =	wrdreg $0xFFFFFFFF  }
0xc1: {  	_ =	task.clear_ibuf [dreg:s6], $0x2FFFF;
	_ =	strace $0x9FFFFFFF  }
0xc2: {  	(tm) =	ssettm $0x7FFFFFFF  }
0xc3: {  	_ =	shalt  }
tec
execute0_lowered:
.L_overlay_start_1:
0x0: {  	(tag) =	ssettag $0x1  }
0x1: {  	s1 =	srdreg.scid;
	s0 =	stileid.u32  }
0x2: {  	s24 =	sand.u32 $0x1, s1;
	s30 =	sshll.u32 s0, $0x1  }
0x3: {  	s4 =	rddreg [dreg:$0x0];
	s6 =	smul.u32 $0xF428, s0;
	s1 =	sor.u32 s24, s30  }
0x4: {  	s2 =	rddreg [dreg:$0x1];
	s3 =	simm.s32 $0x0;
	s5 =	smul.u32 $0x680, s1  }
0x5: {  	[smem:$0x7FF] =	sst s3;
	s21 =	sadd.s32 $0xD600, s4  }
0x6: {  	s1 =	rddreg [dreg:$0x2];
	s22 =	smin.u32 s6, $0xE4E18;
	s25 =	sadd.s32 s5, s4  }
0x7: {  	_ =	strace $0x80000047;
	s31 =	sshrl.u32 s22, $0x3;
	s4 =	sadd.s32 $0x600, s25  }
0x8: {  	[tilespmem:s3], [sflag:$0x1] =	stream.linear.gather [hbm4b:s4+s3], $0x3400, $0x38;
	[tilespmem:$0x17C28] =	vst v63  }
0x9: {  	s7 =	simm.s32 $0x15C28;
	s6 =	simm.s32 $0x2;
	s5 =	sadd.s32 s21, s31  }
0xa: {  	[tilespmem:s7], [sflag:$0x2] =	stream.linear.gather [hbm4b:s5+s3], $0x2000, $0x38;
	[tilespmem:$0x17C28] =	vst v63  }
0xb: {  	_ =	swait.ge [sflag:s6], $0x2000  }
0xc: {  	[sflag:s6] =	ssyncset.done $0x0  }
0xd: {  	s8 =	sadd.s32 s22, s2;
	[sflag:s6] =	ssyncadd.s32 $0xFFFFE000  }
0xe: {  	[spmem:s8] =	stream.linear.scatter [tilespmem:s7], [sflag:$0x2], $0x2000, $0x38;
	[tilespmem:$0x17C28] =	vst v63  }
0xf: {  	s10 =	sadd.s32 $0x2000, s22;
	_ =	swait.ge [sflag:s6], $0x2000  }
0x10: {  	s9 =	sshrl.u32 s10, $0x3;
	[sflag:s6] =	ssyncset.done $0x0  }
0x11: {  	s9 =	sadd.s32 s21, s9;
	[sflag:s6] =	ssyncadd.s32 $0xFFFFE000  }
0x12: {  	[tilespmem:s7], [sflag:$0x2] =	stream.linear.gather [hbm4b:s9+s3], $0x2000, $0x38;
	[tilespmem:$0x17C28] =	vst v63  }
0x13: {  	_ =	swait.ge [sflag:s6], $0x2000  }
0x14: {  	[sflag:s6] =	ssyncset.done $0x0  }
0x15: {  	s10 =	sadd.s32 s10, s2;
	[sflag:s6] =	ssyncadd.s32 $0xFFFFE000  }
0x16: {  	[spmem:s10] =	stream.linear.scatter [tilespmem:s7], [sflag:$0x2], $0x2000, $0x38;
	[tilespmem:$0x17C28] =	vst v63  }
0x17: {  	s12 =	sadd.s32 $0x4000, s22;
	_ =	swait.ge [sflag:s6], $0x2000  }
0x18: {  	s11 =	sshrl.u32 s12, $0x3;
	[sflag:s6] =	ssyncset.done $0x0  }
0x19: {  	s11 =	sadd.s32 s21, s11;
	[sflag:s6] =	ssyncadd.s32 $0xFFFFE000  }
0x1a: {  	[tilespmem:s7], [sflag:$0x2] =	stream.linear.gather [hbm4b:s11+s3], $0x2000, $0x38;
	[tilespmem:$0x17C28] =	vst v63  }
0x1b: {  	_ =	swait.ge [sflag:s6], $0x2000  }
0x1c: {  	[sflag:s6] =	ssyncset.done $0x0  }
0x1d: {  	s12 =	sadd.s32 s12, s2;
	[sflag:s6] =	ssyncadd.s32 $0xFFFFE000  }
0x1e: {  	[spmem:s12] =	stream.linear.scatter [tilespmem:s7], [sflag:$0x2], $0x2000, $0x38;
	[tilespmem:$0x17C28] =	vst v63  }
0x1f: {  	s14 =	sadd.s32 $0x6000, s22;
	_ =	swait.ge [sflag:s6], $0x2000  }
0x20: {  	s13 =	sshrl.u32 s14, $0x3;
	[sflag:s6] =	ssyncset.done $0x0  }
0x21: {  	s13 =	sadd.s32 s21, s13;
	[sflag:s6] =	ssyncadd.s32 $0xFFFFE000  }
0x22: {  	[tilespmem:s7], [sflag:$0x2] =	stream.linear.gather [hbm4b:s13+s3], $0x2000, $0x38;
	[tilespmem:$0x17C28] =	vst v63  }
0x23: {  	_ =	swait.ge [sflag:s6], $0x2000  }
0x24: {  	[sflag:s6] =	ssyncset.done $0x0  }
0x25: {  	s14 =	sadd.s32 s14, s2;
	[sflag:s6] =	ssyncadd.s32 $0xFFFFE000  }
0x26: {  	[spmem:s14] =	stream.linear.scatter [tilespmem:s7], [sflag:$0x2], $0x2000, $0x38;
	[tilespmem:$0x17C28] =	vst v63  }
0x27: {  	s16 =	sadd.s32 $0x8000, s22;
	_ =	swait.ge [sflag:s6], $0x2000  }
0x28: {  	s15 =	sshrl.u32 s16, $0x3;
	[sflag:s6] =	ssyncset.done $0x0  }
0x29: {  	s15 =	sadd.s32 s21, s15;
	[sflag:s6] =	ssyncadd.s32 $0xFFFFE000  }
0x2a: {  	[tilespmem:s7], [sflag:$0x2] =	stream.linear.gather [hbm4b:s15+s3], $0x2000, $0x38;
	[tilespmem:$0x17C28] =	vst v63  }
0x2b: {  	_ =	swait.ge [sflag:s6], $0x2000  }
0x2c: {  	[sflag:s6] =	ssyncset.done $0x0  }
0x2d: {  	s16 =	sadd.s32 s16, s2;
	[sflag:s6] =	ssyncadd.s32 $0xFFFFE000  }
0x2e: {  	[spmem:s16] =	stream.linear.scatter [tilespmem:s7], [sflag:$0x2], $0x2000, $0x38;
	[tilespmem:$0x17C28] =	vst v63  }
0x2f: {  	s18 =	sadd.s32 $0xA000, s22;
	_ =	swait.ge [sflag:s6], $0x2000  }
0x30: {  	s17 =	sshrl.u32 s18, $0x3;
	[sflag:s6] =	ssyncset.done $0x0  }
0x31: {  	s17 =	sadd.s32 s21, s17;
	[sflag:s6] =	ssyncadd.s32 $0xFFFFE000  }
0x32: {  	[tilespmem:s7], [sflag:$0x2] =	stream.linear.gather [hbm4b:s17+s3], $0x2000, $0x38;
	[tilespmem:$0x17C28] =	vst v63  }
0x33: {  	_ =	swait.ge [sflag:s6], $0x2000  }
0x34: {  	[sflag:s6] =	ssyncset.done $0x0  }
0x35: {  	s18 =	sadd.s32 s18, s2;
	[sflag:s6] =	ssyncadd.s32 $0xFFFFE000  }
0x36: {  	[spmem:s18] =	stream.linear.scatter [tilespmem:s7], [sflag:$0x2], $0x2000, $0x38;
	[tilespmem:$0x17C28] =	vst v63  }
0x37: {  	s20 =	sadd.s32 $0xC000, s22;
	_ =	swait.ge [sflag:s6], $0x2000  }
0x38: {  	s19 =	sshrl.u32 s20, $0x3;
	[sflag:s6] =	ssyncset.done $0x0  }
0x39: {  	s19 =	sadd.s32 s21, s19;
	[sflag:s6] =	ssyncadd.s32 $0xFFFFE000  }
0x3a: {  	[tilespmem:s7], [sflag:$0x2] =	stream.linear.gather [hbm4b:s19+s3], $0x2000, $0x38;
	[tilespmem:$0x17C28] =	vst v63  }
0x3b: {  	_ =	swait.ge [sflag:s6], $0x2000  }
0x3c: {  	[sflag:s6] =	ssyncset.done $0x0  }
0x3d: {  	s20 =	sadd.s32 s20, s2;
	[sflag:s6] =	ssyncadd.s32 $0xFFFFE000  }
0x3e: {  	[spmem:s20] =	stream.linear.scatter [tilespmem:s7], [sflag:$0x2], $0x2000, $0x38;
	[tilespmem:$0x17C28] =	vst v63  }
0x3f: {  	s22 =	sadd.s32 $0xE000, s22;
	_ =	swait.ge [sflag:s6], $0x2000  }
0x40: {  	s23 =	sshrl.u32 s22, $0x3;
	[sflag:s6] =	ssyncset.done $0x0  }
0x41: {  	s21 =	sadd.s32 s21, s23;
	[sflag:s6] =	ssyncadd.s32 $0xFFFFE000  }
0x42: {  	[tilespmem:s7], [sflag:$0x2] =	stream.linear.gather [hbm4b:s21+s3], $0x1428, $0x38;
	[tilespmem:$0x17C28] =	vst v63  }
0x43: {  	_ =	swait.ge [sflag:s6], $0x1428  }
0x44: {  	[sflag:s6] =	ssyncset.done $0x0  }
0x45: {  	s22 =	sadd.s32 s22, s2;
	[sflag:s6] =	ssyncadd.s32 $0xFFFFEBD8  }
0x46: {  	[spmem:s22] =	stream.linear.scatter [tilespmem:s7], [sflag:$0x2], $0x1428, $0x38;
	[tilespmem:$0x17C28] =	vst v63  }
0x47: {  	_ =	swait.ge [sflag:s6], $0x1428  }
0x48: {  	[sflag:s6] =	ssyncset.done $0x0  }
0x49: {  	[sflag:s6] =	ssyncadd.s32 $0xFFFFEBD8  }
0x4a: {  	s26 =	ssub.s32 $0x2, s24;
	s23 =	simm.s32 $0x1;
	[bflag:$0x0] =	sbarrier.arrive $0xFFFF  }
0x4b: {  	s28 =	sshrl.u32 s26, $0x1;
	_ =	swait.ge [sflag:s23], $0x3400  }
0x4c: {  	s26 =	ssub.s32 s26, s28;
	[sflag:s23] =	ssyncset.done $0x0  }
0x4d: {  	s24 =	simm.s32 $0x3400;
	s26 =	smax.u32 s26, $0x1;
	[sflag:s23] =	ssyncadd.s32 $0xFFFFCC00  }
0x4e: {  	[tilespmem:s24], [sflag:$0x1] =	stream.indirect.gather [spmem:s2], $0x1, s3, s24, $0xb8;
	[tilespmem:$0x17C28] =	vst v63  }
0x4f: {  	p0 =	sne.s32 s26, $0x1;
	_ =	swait.ge [sflag:s23], $0x3400  }
.Ltmp0:
0x50: {  	[sflag:s23] =	ssyncset.done $0x0;
	(pc) =	sbr.rel @!p0 .LBB2_2-.Ltmp0, $4  }
0x51: {  	s25 =	sadd.s32 $0x2C000, s25;
	[sflag:s23] =	ssyncadd.s32 $0xFFFFCC00  }
0x52: {  	[hbm4b:s25+s3] =	stream.linear.scatter [tilespmem:s24], [sflag:$0x2], $0x3400, $0x38;
	[tilespmem:$0x17C28] =	vst v63  }
0x53: {  	_ =	swait.ge [sflag:s6], $0x3400  }
0x54: {  	s26 =	sadd.s32 $0xFFFFFFFF, s26;
	[sflag:s6] =	ssyncset.done $0x0  }
.LBB2_1:
0x55: {  	p0 =	sne.s32 s26, $0x1;
	s26 =	sadd.s32 $0xFFFFFFFF, s26;
	[sflag:s6] =	ssyncadd.s32 $0xFFFFCC00  }
0x56: {  	[tilespmem:s3], [sflag:$0x1] =	stream.linear.gather [hbm4b:s4+s3], $0x3400, $0x38;
	[tilespmem:$0x17C28] =	vst v63  }
0x57: {  	_ = 	snop  }
0x58: {  	[tilespmem:s7], [sflag:$0x2] =	stream.linear.gather [hbm4b:s5+s3], $0x2000, $0x38;
	[tilespmem:$0x17C28] =	vst v63  }
0x59: {  	_ =	swait.ge [sflag:s6], $0x2000  }
0x5a: {  	[sflag:s6] =	ssyncset.done $0x0  }
0x5b: {  	[sflag:s6] =	ssyncadd.s32 $0xFFFFE000  }
0x5c: {  	[spmem:s8] =	stream.linear.scatter [tilespmem:s7], [sflag:$0x2], $0x2000, $0x38;
	[tilespmem:$0x17C28] =	vst v63  }
0x5d: {  	_ =	swait.ge [sflag:s6], $0x2000  }
0x5e: {  	[sflag:s6] =	ssyncset.done $0x0  }
0x5f: {  	[sflag:s6] =	ssyncadd.s32 $0xFFFFE000  }
0x60: {  	[tilespmem:s7], [sflag:$0x2] =	stream.linear.gather [hbm4b:s9+s3], $0x2000, $0x38;
	[tilespmem:$0x17C28] =	vst v63  }
0x61: {  	_ =	swait.ge [sflag:s6], $0x2000  }
0x62: {  	[sflag:s6] =	ssyncset.done $0x0  }
0x63: {  	[sflag:s6] =	ssyncadd.s32 $0xFFFFE000  }
0x64: {  	[spmem:s10] =	stream.linear.scatter [tilespmem:s7], [sflag:$0x2], $0x2000, $0x38;
	[tilespmem:$0x17C28] =	vst v63  }
0x65: {  	_ =	swait.ge [sflag:s6], $0x2000  }
0x66: {  	[sflag:s6] =	ssyncset.done $0x0  }
0x67: {  	[sflag:s6] =	ssyncadd.s32 $0xFFFFE000  }
0x68: {  	[tilespmem:s7], [sflag:$0x2] =	stream.linear.gather [hbm4b:s11+s3], $0x2000, $0x38;
	[tilespmem:$0x17C28] =	vst v63  }
0x69: {  	_ =	swait.ge [sflag:s6], $0x2000  }
0x6a: {  	[sflag:s6] =	ssyncset.done $0x0  }
0x6b: {  	[sflag:s6] =	ssyncadd.s32 $0xFFFFE000  }
0x6c: {  	[spmem:s12] =	stream.linear.scatter [tilespmem:s7], [sflag:$0x2], $0x2000, $0x38;
	[tilespmem:$0x17C28] =	vst v63  }
0x6d: {  	_ =	swait.ge [sflag:s6], $0x2000  }
0x6e: {  	[sflag:s6] =	ssyncset.done $0x0  }
0x6f: {  	[sflag:s6] =	ssyncadd.s32 $0xFFFFE000  }
0x70: {  	[tilespmem:s7], [sflag:$0x2] =	stream.linear.gather [hbm4b:s13+s3], $0x2000, $0x38;
	[tilespmem:$0x17C28] =	vst v63  }
0x71: {  	_ =	swait.ge [sflag:s6], $0x2000  }
0x72: {  	[sflag:s6] =	ssyncset.done $0x0  }
0x73: {  	[sflag:s6] =	ssyncadd.s32 $0xFFFFE000  }
0x74: {  	[spmem:s14] =	stream.linear.scatter [tilespmem:s7], [sflag:$0x2], $0x2000, $0x38;
	[tilespmem:$0x17C28] =	vst v63  }
0x75: {  	_ =	swait.ge [sflag:s6], $0x2000  }
0x76: {  	[sflag:s6] =	ssyncset.done $0x0  }
0x77: {  	[sflag:s6] =	ssyncadd.s32 $0xFFFFE000  }
0x78: {  	[tilespmem:s7], [sflag:$0x2] =	stream.linear.gather [hbm4b:s15+s3], $0x2000, $0x38;
	[tilespmem:$0x17C28] =	vst v63  }
0x79: {  	_ =	swait.ge [sflag:s6], $0x2000  }
0x7a: {  	[sflag:s6] =	ssyncset.done $0x0  }
0x7b: {  	[sflag:s6] =	ssyncadd.s32 $0xFFFFE000  }
0x7c: {  	[spmem:s16] =	stream.linear.scatter [tilespmem:s7], [sflag:$0x2], $0x2000, $0x38;
	[tilespmem:$0x17C28] =	vst v63  }
0x7d: {  	_ =	swait.ge [sflag:s6], $0x2000  }
0x7e: {  	[sflag:s6] =	ssyncset.done $0x0  }
0x7f: {  	[sflag:s6] =	ssyncadd.s32 $0xFFFFE000  }
0x80: {  	[tilespmem:s7], [sflag:$0x2] =	stream.linear.gather [hbm4b:s17+s3], $0x2000, $0x38;
	[tilespmem:$0x17C28] =	vst v63  }
0x81: {  	_ =	swait.ge [sflag:s6], $0x2000  }
0x82: {  	[sflag:s6] =	ssyncset.done $0x0  }
0x83: {  	[sflag:s6] =	ssyncadd.s32 $0xFFFFE000  }
0x84: {  	[spmem:s18] =	stream.linear.scatter [tilespmem:s7], [sflag:$0x2], $0x2000, $0x38;
	[tilespmem:$0x17C28] =	vst v63  }
0x85: {  	_ =	swait.ge [sflag:s6], $0x2000  }
0x86: {  	[sflag:s6] =	ssyncset.done $0x0  }
0x87: {  	[sflag:s6] =	ssyncadd.s32 $0xFFFFE000  }
0x88: {  	[tilespmem:s7], [sflag:$0x2] =	stream.linear.gather [hbm4b:s19+s3], $0x2000, $0x38;
	[tilespmem:$0x17C28] =	vst v63  }
0x89: {  	_ =	swait.ge [sflag:s6], $0x2000  }
0x8a: {  	[sflag:s6] =	ssyncset.done $0x0  }
0x8b: {  	[sflag:s6] =	ssyncadd.s32 $0xFFFFE000  }
0x8c: {  	[spmem:s20] =	stream.linear.scatter [tilespmem:s7], [sflag:$0x2], $0x2000, $0x38;
	[tilespmem:$0x17C28] =	vst v63  }
0x8d: {  	_ =	swait.ge [sflag:s6], $0x2000  }
0x8e: {  	[sflag:s6] =	ssyncset.done $0x0  }
0x8f: {  	[sflag:s6] =	ssyncadd.s32 $0xFFFFE000  }
0x90: {  	[tilespmem:s7], [sflag:$0x2] =	stream.linear.gather [hbm4b:s21+s3], $0x1428, $0x38;
	[tilespmem:$0x17C28] =	vst v63  }
0x91: {  	_ =	swait.ge [sflag:s6], $0x1428  }
0x92: {  	[sflag:s6] =	ssyncset.done $0x0  }
0x93: {  	[sflag:s6] =	ssyncadd.s32 $0xFFFFEBD8  }
0x94: {  	[spmem:s22] =	stream.linear.scatter [tilespmem:s7], [sflag:$0x2], $0x1428, $0x38;
	[tilespmem:$0x17C28] =	vst v63  }
0x95: {  	_ =	swait.ge [sflag:s6], $0x1428  }
0x96: {  	[sflag:s6] =	ssyncset.done $0x0  }
0x97: {  	[sflag:s6] =	ssyncadd.s32 $0xFFFFEBD8  }
0x98: {  	[bflag:$0x0] =	sbarrier.arrive $0xFFFF  }
0x99: {  	_ =	swait.ge [sflag:s23], $0x3400  }
0x9a: {  	[sflag:s23] =	ssyncset.done $0x0  }
0x9b: {  	[sflag:s23] =	ssyncadd.s32 $0xFFFFCC00  }
0x9c: {  	[tilespmem:s24], [sflag:$0x1] =	stream.indirect.gather [spmem:s2], $0x1, s3, s24, $0xb8;
	[tilespmem:$0x17C28] =	vst v63  }
0x9d: {  	_ =	swait.ge [sflag:s23], $0x3400  }
.Ltmp1:
0x9e: {  	[sflag:s23] =	ssyncset.done $0x0;
	(pc) =	sbr.rel @p0 .LBB2_1-.Ltmp1, $4  }
0x9f: {  	[sflag:s23] =	ssyncadd.s32 $0xFFFFCC00  }
0xa0: {  	[hbm4b:s25+s3] =	stream.linear.scatter [tilespmem:s24], [sflag:$0x2], $0x3400, $0x38;
	[tilespmem:$0x17C28] =	vst v63  }
0xa1: {  	_ =	swait.ge [sflag:s6], $0x3400  }
0xa2: {  	[sflag:s6] =	ssyncset.done $0x0  }
.LBB2_2:
0xa3: {  	[sflag:s6] =	ssyncadd.s32 $0xFFFFCC00  }
0xa4: {  	_ =	sfence.sel $0x180000  }
0xa5: {  	[bflag:$0x0] =	sbarrier.arrive $0xFFFF  }
0xa6: {  	p0 =	sne.s32 s0, $0x0;
	_ =	strace $0x90000047  }
0xa7: {  	s0 =	sadd.s32 @!p0 $0x100000, s1;
	[bflag:$0x2] =	sbarrier.arrive $0xFFFF  }
0xa8: {  	[sflag:s0] =	ssyncadd.tile.s32 @!p0 $0x1;
	_ =	shalt  }
.Lfunc_end2:
_tile_overlayer_lowered:
.L_overlay_start_2:
0xa9: {  	(tag) =	ssettag $0x2  }
0xaa: {  	s0 =	rddreg [dreg:$0x0];
	s2 =	stileid.u32  }
0xab: {  	s1 =	rddreg [dreg:$0x1];
	p0 =	sne.s32 s2, $0x0  }
0xac: {  	s3 =	rddreg [dreg:$0x2];
	[bflag:$0x3] =	sbarrier.arrive $0xFFFF;
	s2 =	simm.s32 @!p0 $0x1C02  }
0xad: {  	[timem:s3], [sflag:s2] =	dma.local @!p0 [hbm:s0], s1  }
0xae: {  	s0 =	simm.s32 @!p0 $0x2  }
0xaf: {  	_ =	swait.ge @!p0 [sflag:s0], s1  }
0xb0: {  	s1 =	ssub.s32 @!p0 $0x0, s1;
	[sflag:s0] =	ssyncset.done @!p0 $0x0  }
0xb1: {  	[sflag:s0] =	ssyncadd.s32 @!p0 s1  }
0xb2: {  	[bflag:$0x3] =	sbarrier.arrive $0xFFFF  }
0xb3: {  	_ =	shalt  }

</sc_bundles>
